<compile_context>
chip_gen: v7x
topology: tpu7x:2x2x1
jax: 0.10.2.dev20260603
libtpu: 0.0.44.dev20260713+nightly
codegen_flags: <defaults>
</compile_context>

<pallas_src>
import functools

import jax
import jax.numpy as jnp
from jax import lax
from jax.experimental import pallas as pl
from jax.experimental.pallas import tpu as pltpu
from jax.experimental.pallas import tpu_sc as plsc

N = 10000
NP = 10240
E = 320000
NW = 32
KCH = 80
EW = KCH * 128
EP = EW * NW
RB = 512
GRID = NP // RB
EPS = 1e-5

_mesh = plsc.VectorSubcoreMesh(core_axis_name="c", subcore_axis_name="s")



@functools.partial(
    pl.kernel,
    mesh=_mesh,
    out_type=jax.ShapeDtypeStruct((2, NP, 128), jnp.float32),
    scratch_types=[
        pltpu.VMEM((KCH, 128), jnp.int32),
        pltpu.VMEM((128, 128), jnp.float32),
        pltpu.VMEM_SHARED((NP, 128), jnp.float32),
    ],
)
def _sc_degree(dst_hbm, zeros_hbm, oh_hbm, out_hbm, dst_v, rows_v, acc_sh):
    cid = lax.axis_index("c")
    sid = lax.axis_index("s")
    wid = sid * 2 + cid
    pltpu.sync_copy(zeros_hbm.at[pl.ds(sid * 640, 640)],
                    acc_sh.at[pl.ds(sid * 640, 640)])
    pltpu.sync_copy(dst_hbm.at[wid], dst_v)
    pltpu.sync_copy(oh_hbm, rows_v)
    plsc.subcore_barrier()

    def body(j, carry):
        pltpu.sync_copy(rows_v, acc_sh.at[dst_v.at[j]], add=True)
        return carry

    lax.fori_loop(0, KCH, body, 0)
    plsc.subcore_barrier()
    pltpu.sync_copy(acc_sh.at[pl.ds(sid * 640, 640)],
                    out_hbm.at[cid, pl.ds(sid * 640, 640)])



def _make_sc_scatter(F):
    @functools.partial(
        pl.kernel,
        mesh=_mesh,
        out_type=jax.ShapeDtypeStruct((2, NP, F), jnp.float32),
        scratch_types=[
            pltpu.VMEM((KCH, 128), jnp.int32),
            pltpu.VMEM((KCH, 128), jnp.int32),
            pltpu.VMEM((128, F), jnp.float32),
            pltpu.VMEM_SHARED((NP, F), jnp.float32),
            pltpu.SemaphoreType.DMA,
        ],
    )
    def sc_scatter(u_hbm, src_hbm, dst_hbm, zeros_hbm, out_hbm,
                   src_v, dst_v, rows_v, acc_sh, sem):
        cid = lax.axis_index("c")
        sid = lax.axis_index("s")
        wid = sid * 2 + cid
        pltpu.sync_copy(zeros_hbm.at[pl.ds(sid * 640, 640)],
                        acc_sh.at[pl.ds(sid * 640, 640)])
        pltpu.sync_copy(src_hbm.at[wid], src_v)
        pltpu.sync_copy(dst_hbm.at[wid], dst_v)
        plsc.subcore_barrier()

        def body(j, carry):
            pltpu.async_copy(u_hbm.at[src_v.at[j]], rows_v, sem).wait()
            pltpu.sync_copy(rows_v, acc_sh.at[dst_v.at[j]], add=True)
            return carry

        lax.fori_loop(0, KCH, body, 0)
        plsc.subcore_barrier()
        pltpu.sync_copy(acc_sh.at[pl.ds(sid * 640, 640)],
                        out_hbm.at[cid, pl.ds(sid * 640, 640)])

    return sc_scatter


_sc_scatter_128 = _make_sc_scatter(128)



def _dinv_scale_body(parts_ref, x_ref, dinv_ref, u_ref):
    s = jnp.sum(parts_ref[...], axis=(0, 2)) * (1.0 / 128.0)
    dv = lax.rsqrt(1.0 + s)[:, None]
    dinv_ref[...] = dv
    u_ref[...] = x_ref[...] * dv


def _tc_dinv_scale(parts, x):
    return pl.pallas_call(
        _dinv_scale_body,
        grid=(GRID,),
        in_specs=[
            pl.BlockSpec((2, RB, 128), lambda i: (0, i, 0)),
            pl.BlockSpec((RB, 128), lambda i: (i, 0)),
        ],
        out_specs=[
            pl.BlockSpec((RB, 1), lambda i: (i, 0)),
            pl.BlockSpec((RB, 128), lambda i: (i, 0)),
        ],
        out_shape=[
            jax.ShapeDtypeStruct((NP, 1), jnp.float32),
            jax.ShapeDtypeStruct((NP, 128), jnp.float32),
        ],
    )(parts, x)


def _stats(i, z, st_ref):
    rows = i * RB + lax.broadcasted_iota(jnp.int32, (RB, 1), 0)
    zm = jnp.where(rows < N, z, 0.0)
    st = jnp.concatenate(
        [jnp.sum(zm, axis=0, keepdims=True),
         jnp.sum(zm * zm, axis=0, keepdims=True)], axis=0)

    @pl.when(i == 0)
    def _():
        st_ref[...] = st

    @pl.when(i > 0)
    def _():
        st_ref[...] += st


def _mm1_body(agg_ref, u_ref, dinv_ref, w_ref, b_ref, z_ref, st_ref):
    i = pl.program_id(0)
    t = (agg_ref[0] + agg_ref[1] + u_ref[...]) * dinv_ref[...]
    z = jnp.dot(t, w_ref[...], preferred_element_type=jnp.float32) + b_ref[...]
    z_ref[...] = z
    _stats(i, z, st_ref)


def _tc_mm1(agg, u, dinv, w, b):
    Fi, Fo = w.shape
    return pl.pallas_call(
        _mm1_body,
        grid=(GRID,),
        in_specs=[
            pl.BlockSpec((2, RB, Fi), lambda i: (0, i, 0)),
            pl.BlockSpec((RB, Fi), lambda i: (i, 0)),
            pl.BlockSpec((RB, 1), lambda i: (i, 0)),
            pl.BlockSpec((Fi, Fo), lambda i: (0, 0)),
            pl.BlockSpec((1, Fo), lambda i: (0, 0)),
        ],
        out_specs=[
            pl.BlockSpec((RB, Fo), lambda i: (i, 0)),
            pl.BlockSpec((2, Fo), lambda i: (0, 0)),
        ],
        out_shape=[
            jax.ShapeDtypeStruct((NP, Fo), jnp.float32),
            jax.ShapeDtypeStruct((2, Fo), jnp.float32),
        ],
    )(agg, u, dinv, w, b)


def _bnmm_body(z_ref, st_ref, g_ref, be_ref, dinv_ref, w_ref, u_ref):
    st = st_ref[...]
    mean = st[0:1, :] * (1.0 / N)
    var = st[1:2, :] * (1.0 / N) - mean * mean
    scale = g_ref[...] * lax.rsqrt(var + EPS)
    h = jnp.maximum((z_ref[...] - mean) * scale + be_ref[...], 0.0)
    u_ref[...] = jnp.dot(h, w_ref[...],
                         preferred_element_type=jnp.float32) * dinv_ref[...]


def _tc_bnmm(z, st, g, be, dinv, w):
    Fi, Fo = w.shape
    return pl.pallas_call(
        _bnmm_body,
        grid=(GRID,),
        in_specs=[
            pl.BlockSpec((RB, Fi), lambda i: (i, 0)),
            pl.BlockSpec((2, Fi), lambda i: (0, 0)),
            pl.BlockSpec((1, Fi), lambda i: (0, 0)),
            pl.BlockSpec((1, Fi), lambda i: (0, 0)),
            pl.BlockSpec((RB, 1), lambda i: (i, 0)),
            pl.BlockSpec((Fi, Fo), lambda i: (0, 0)),
        ],
        out_specs=pl.BlockSpec((RB, Fo), lambda i: (i, 0)),
        out_shape=jax.ShapeDtypeStruct((NP, Fo), jnp.float32),
    )(z, st, g, be, dinv, w)


def _fin_body(agg_ref, u_ref, dinv_ref, b_ref, z_ref, st_ref):
    i = pl.program_id(0)
    z = (agg_ref[0] + agg_ref[1] + u_ref[...]) * dinv_ref[...] + b_ref[...]
    z_ref[...] = z
    _stats(i, z, st_ref)


def _tc_fin(agg, u, dinv, b):
    F = u.shape[1]
    return pl.pallas_call(
        _fin_body,
        grid=(GRID,),
        in_specs=[
            pl.BlockSpec((2, RB, F), lambda i: (0, i, 0)),
            pl.BlockSpec((RB, F), lambda i: (i, 0)),
            pl.BlockSpec((RB, 1), lambda i: (i, 0)),
            pl.BlockSpec((1, F), lambda i: (0, 0)),
        ],
        out_specs=[
            pl.BlockSpec((RB, F), lambda i: (i, 0)),
            pl.BlockSpec((2, F), lambda i: (0, 0)),
        ],
        out_shape=[
            jax.ShapeDtypeStruct((NP, F), jnp.float32),
            jax.ShapeDtypeStruct((2, F), jnp.float32),
        ],
    )(agg, u, dinv, b)


def _out_body(agg_ref, u_ref, dinv_ref, b_ref, o_ref):
    z = (agg_ref[0] + agg_ref[1] + u_ref[...]) * dinv_ref[...] + b_ref[...]
    col = lax.broadcasted_iota(jnp.int32, (RB, 128), 1)
    zm = jnp.where(col < 40, z, -1e30)
    m = jnp.max(zm, axis=1, keepdims=True)
    s = jnp.sum(jnp.exp(zm - m), axis=1, keepdims=True)
    o_ref[...] = z - m - jnp.log(s)


def _tc_out(agg, u, dinv, b):
    return pl.pallas_call(
        _out_body,
        grid=(GRID,),
        in_specs=[
            pl.BlockSpec((2, RB, 128), lambda i: (0, i, 0)),
            pl.BlockSpec((RB, 128), lambda i: (i, 0)),
            pl.BlockSpec((RB, 1), lambda i: (i, 0)),
            pl.BlockSpec((1, 128), lambda i: (0, 0)),
        ],
        out_specs=pl.BlockSpec((RB, 128), lambda i: (i, 0)),
        out_shape=jax.ShapeDtypeStruct((NP, 128), jnp.float32),
    )(agg, u, dinv, b)



def kernel(x, edge_index, W1, b1, W2, b2, W3, b3, W4, b4,
           g1, be1, g2, be2, g3, be3):
    src = edge_index[0].astype(jnp.int32)
    dst = edge_index[1].astype(jnp.int32)
    pad = N + (jnp.arange(EP - E, dtype=jnp.int32) % (NP - N))
    src_p = jnp.concatenate([src, pad]).reshape(NW, KCH, 128)
    dst_p = jnp.concatenate([dst, pad]).reshape(NW, KCH, 128)

    x_p = jnp.pad(x, ((0, NP - N), (0, 0)))
    W3p = jnp.pad(W3, ((0, 0), (0, 64)))
    b3p = jnp.pad(b3, (0, 64))
    g3p = jnp.pad(g3, (0, 64))
    be3p = jnp.pad(be3, (0, 64))
    W4p = jnp.pad(W4, ((0, 64), (0, 88)))
    b4p = jnp.pad(b4, (0, 88))

    z128 = jnp.zeros((NP, 128), jnp.float32)

    oh = jnp.ones((128, 128), jnp.float32)
    deg_parts = _sc_degree(dst_p, z128, oh)

    b1r, b2r, b3r, b4r = (v.reshape(1, -1) for v in (b1, b2, b3p, b4p))
    g1r, g2r, g3r = (v.reshape(1, -1) for v in (g1, g2, g3p))
    be1r, be2r, be3r = (v.reshape(1, -1) for v in (be1, be2, be3p))

    dinv, u0 = _tc_dinv_scale(deg_parts, x_p)
    agg1 = _sc_scatter_128(u0, src_p, dst_p, z128)
    z1, st1 = _tc_mm1(agg1, u0, dinv, W1, b1r)

    u2 = _tc_bnmm(z1, st1, g1r, be1r, dinv, W2)
    agg2 = _sc_scatter_128(u2, src_p, dst_p, z128)
    z2, st2 = _tc_fin(agg2, u2, dinv, b2r)

    u3 = _tc_bnmm(z2, st2, g2r, be2r, dinv, W3p)
    agg3 = _sc_scatter_128(u3, src_p, dst_p, z128)
    z3, st3 = _tc_fin(agg3, u3, dinv, b3r)

    u4 = _tc_bnmm(z3, st3, g3r, be3r, dinv, W4p)
    agg4 = _sc_scatter_128(u4, src_p, dst_p, z128)
    out = _tc_out(agg4, u4, dinv, b4r)

    return out[:N, :40]

# --- scband reference (transcript-rebuilt; emitter-appended) ---
"""Pipeline reference for scband-gnn-2070174237140 (READ-ONLY COPY).

The authoritative reference and input builder live on the scoring server;
editing this copy changes nothing except your own understanding.
"""

import jax, jax.numpy as jnp
import numpy as np

N_NODES = 10000
N_EDGES = 320000
IN_CH = 128
OUT_CH = 40
EPS = 1e-5


def _glorot(key, fan_in, fan_out):
    lim = float(np.sqrt(6.0 / (fan_in + fan_out)))
    return jax.random.uniform(key, (fan_in, fan_out), minval=-lim, maxval=lim, dtype=jnp.float32)


def setup_inputs(seed: int = 0) -> dict:
    key = jax.random.key(seed)
    ks = jax.random.split(key, 8)
    x = jax.random.normal(ks[0], (N_NODES, IN_CH), dtype=jnp.float32)
    edge_index = jax.random.randint(ks[1], (2, N_EDGES), 0, N_NODES, dtype=jnp.int64)
    dims = [(IN_CH, 256), (256, 128), (128, 64), (64, OUT_CH)]
    inp = {"x": x, "edge_index": edge_index}
    for i, (fi, fo) in enumerate(dims, start=1):
        inp[f"W{i}"] = _glorot(ks[1 + i], fi, fo)
        inp[f"b{i}"] = jnp.zeros((fo,), dtype=jnp.float32)
    for i, d in enumerate([256, 128, 64], start=1):
        inp[f"g{i}"] = jnp.ones((d,), dtype=jnp.float32)
        inp[f"be{i}"] = jnp.zeros((d,), dtype=jnp.float32)
    return inp


def _gcn_conv(x, src, dst, W, b):
    n = x.shape[0]
    loop = jnp.arange(n, dtype=src.dtype)
    s = jnp.concatenate([src, loop])
    d = jnp.concatenate([dst, loop])
    deg = jnp.zeros((n,), dtype=jnp.float32).at[d].add(1.0)
    dinv = jnp.where(deg > 0, deg ** -0.5, 0.0)
    norm = dinv[s] * dinv[d]
    h = x @ W
    msg = h[s] * norm[:, None]
    out = jax.ops.segment_sum(msg, d, num_segments=n)
    return out + b


def _batch_norm(x, gamma, beta):
    mu = jnp.mean(x, axis=0, keepdims=True)
    var = jnp.var(x, axis=0, keepdims=True)
    return (x - mu) / jnp.sqrt(var + EPS) * gamma + beta


def reference(x, edge_index, W1, b1, W2, b2, W3, b3, W4, b4, g1, be1, g2, be2, g3, be3):
    src, dst = edge_index[0], edge_index[1]
    h = _gcn_conv(x, src, dst, W1, b1)
    h = jax.nn.relu(_batch_norm(h, g1, be1))
    h = _gcn_conv(h, src, dst, W2, b2)
    h = jax.nn.relu(_batch_norm(h, g2, be2))
    h = _gcn_conv(h, src, dst, W3, b3)
    h = jax.nn.relu(_batch_norm(h, g3, be3))
    h = _gcn_conv(h, src, dst, W4, b4)
    return jax.nn.log_softmax(h, axis=1)

if __name__ == "__main__":
    import jax
    _d = setup_inputs()
    print(jax.jit(kernel)(*tuple(_d.values())))

</pallas_src>

<mosaic_0001>
#map = affine_map<(d0, d1) -> (0, 0)>
#map1 = affine_map<(d0, d1) -> (0, 0, 0)>
module attributes {stable_mosaic.version = 14 : i64} {
  func.func @sc_scatter(%arg0: i32, %arg1: i32, %arg2: memref<10240x128xf32, #tpu.memory_space<hbm>>, %arg3: memref<32x80x128xi32, #tpu.memory_space<hbm>>, %arg4: memref<32x80x128xi32, #tpu.memory_space<hbm>>, %arg5: memref<10240x128xf32, #tpu.memory_space<hbm>>, %arg6: memref<2x10240x128xf32, #tpu.memory_space<hbm>>, %arg7: memref<80x128xi32, #tpu.memory_space<vmem>>, %arg8: memref<80x128xi32, #tpu.memory_space<vmem>>, %arg9: memref<128x128xf32, #tpu.memory_space<vmem>>, %arg10: memref<10240x128xf32, #tpu.memory_space<vmem_shared>>, %arg11: memref<!tpu.dma_semaphore, #tpu.memory_space<semaphore_mem>>) attributes {dimension_semantics = [#tpu.dimension_semantics<core_parallel>, #tpu.dimension_semantics<subcore_parallel>], iteration_bounds = array<i64: 2, 16>, scalar_prefetch = 0 : i64, scratch_operands = 5 : i64, tpu.core_type = #tpu.core_type<sc_vector_subcore>, window_params = [{transform_indices = #map}, {transform_indices = #map1}, {transform_indices = #map1}, {transform_indices = #map}, {transform_indices = #map1}]} {
    %mul3A = arith.constant 2 : i32
    %mul3A_0 = arith.muli %arg1, %mul3A : i32
    %add3A = arith.addi %mul3A_0, %arg0 : i32
    %mul3A_1 = arith.constant 640 : i32
    %mul3A_2 = arith.muli %arg1, %mul3A_1 : i32
    %mul3A_3 = arith.constant 640 : i32
    %mul3A_4 = arith.muli %arg1, %mul3A_3 : i32
    "tpu.region"() ({
      %run_scoped3A = tpu.sem_alloc : memref<!tpu.dma_semaphore, #tpu.memory_space<semaphore_mem>>
      %dma_start3A = arith.constant 0 : i32
      %dma_start3A_15 = tpu.memref_slice %arg10[%mul3A_4, %dma_start3A] : memref<10240x128xf32, #tpu.memory_space<vmem_shared>> -> memref<640x128xf32, #tpu.memory_space<vmem_shared>>
      %dma_start3A_16 = arith.constant 0 : i32
      %dma_start3A_17 = tpu.memref_slice %arg5[%mul3A_2, %dma_start3A_16] : memref<10240x128xf32, #tpu.memory_space<hbm>> -> memref<640x128xf32, #tpu.memory_space<hbm>>
      tpu.enqueue_dma source(%dma_start3A_17 : memref<640x128xf32, #tpu.memory_space<hbm>>) target(%dma_start3A_15 : memref<640x128xf32, #tpu.memory_space<vmem_shared>>) target_semaphore(%run_scoped3A : memref<!tpu.dma_semaphore, #tpu.memory_space<semaphore_mem>>)
      %dma_wait3A = arith.constant 0 : i32
      %dma_wait3A_18 = tpu.memref_slice %arg10[%mul3A_4, %dma_wait3A] : memref<10240x128xf32, #tpu.memory_space<vmem_shared>> -> memref<640x128xf32, #tpu.memory_space<vmem_shared>>
      %dma_wait3A_19 = arith.constant 0 : i32
      %dma_wait3A_20 = tpu.memref_slice %arg5[%mul3A_2, %dma_wait3A_19] : memref<10240x128xf32, #tpu.memory_space<hbm>> -> memref<640x128xf32, #tpu.memory_space<hbm>>
      tpu.wait_dma2 semaphore(%run_scoped3A : memref<!tpu.dma_semaphore, #tpu.memory_space<semaphore_mem>>) src(%dma_wait3A_20 : memref<640x128xf32, #tpu.memory_space<hbm>>) dst(%dma_wait3A_18 : memref<640x128xf32, #tpu.memory_space<vmem_shared>>)
      tpu.yield
    }) : () -> ()
    "tpu.region"() ({
      %run_scoped3A = tpu.sem_alloc : memref<!tpu.dma_semaphore, #tpu.memory_space<semaphore_mem>>
      %dma_start3A = arith.constant 0 : i32
      %dma_start3A_15 = arith.constant 0 : i32
      %dma_start3A_16 = tpu.memref_slice %arg3[%add3A, %dma_start3A, %dma_start3A_15] : memref<32x80x128xi32, #tpu.memory_space<hbm>> -> memref<1x80x128xi32, #tpu.memory_space<hbm>>
      %dma_start3A_17 = tpu.memref_squeeze %dma_start3A_16 : memref<1x80x128xi32, #tpu.memory_space<hbm>> -> memref<80x128xi32, #tpu.memory_space<hbm>>
      %dma_start3A_18 = arith.constant 0 : i32
      %dma_start3A_19 = arith.constant 0 : i32
      %dma_start3A_20 = tpu.memref_slice %arg3[%add3A, %dma_start3A_18, %dma_start3A_19] : memref<32x80x128xi32, #tpu.memory_space<hbm>> -> memref<1x80x128xi32, #tpu.memory_space<hbm>>
      %dma_start3A_21 = tpu.memref_squeeze %dma_start3A_20 : memref<1x80x128xi32, #tpu.memory_space<hbm>> -> memref<80x128xi32, #tpu.memory_space<hbm>>
      tpu.enqueue_dma source(%dma_start3A_21 : memref<80x128xi32, #tpu.memory_space<hbm>>) target(%arg7 : memref<80x128xi32, #tpu.memory_space<vmem>>) target_semaphore(%run_scoped3A : memref<!tpu.dma_semaphore, #tpu.memory_space<semaphore_mem>>)
      %dma_wait3A = arith.constant 0 : i32
      %dma_wait3A_22 = arith.constant 0 : i32
      %dma_wait3A_23 = tpu.memref_slice %arg3[%add3A, %dma_wait3A, %dma_wait3A_22] : memref<32x80x128xi32, #tpu.memory_space<hbm>> -> memref<1x80x128xi32, #tpu.memory_space<hbm>>
      %dma_wait3A_24 = tpu.memref_squeeze %dma_wait3A_23 : memref<1x80x128xi32, #tpu.memory_space<hbm>> -> memref<80x128xi32, #tpu.memory_space<hbm>>
      %dma_wait3A_25 = arith.constant 0 : i32
      %dma_wait3A_26 = arith.constant 0 : i32
      %dma_wait3A_27 = tpu.memref_slice %arg3[%add3A, %dma_wait3A_25, %dma_wait3A_26] : memref<32x80x128xi32, #tpu.memory_space<hbm>> -> memref<1x80x128xi32, #tpu.memory_space<hbm>>
      %dma_wait3A_28 = tpu.memref_squeeze %dma_wait3A_27 : memref<1x80x128xi32, #tpu.memory_space<hbm>> -> memref<80x128xi32, #tpu.memory_space<hbm>>
      tpu.wait_dma2 semaphore(%run_scoped3A : memref<!tpu.dma_semaphore, #tpu.memory_space<semaphore_mem>>) src(%dma_wait3A_28 : memref<80x128xi32, #tpu.memory_space<hbm>>) dst(%arg7 : memref<80x128xi32, #tpu.memory_space<vmem>>)
      tpu.yield
    }) : () -> ()
    "tpu.region"() ({
      %run_scoped3A = tpu.sem_alloc : memref<!tpu.dma_semaphore, #tpu.memory_space<semaphore_mem>>
      %dma_start3A = arith.constant 0 : i32
      %dma_start3A_15 = arith.constant 0 : i32
      %dma_start3A_16 = tpu.memref_slice %arg4[%add3A, %dma_start3A, %dma_start3A_15] : memref<32x80x128xi32, #tpu.memory_space<hbm>> -> memref<1x80x128xi32, #tpu.memory_space<hbm>>
      %dma_start3A_17 = tpu.memref_squeeze %dma_start3A_16 : memref<1x80x128xi32, #tpu.memory_space<hbm>> -> memref<80x128xi32, #tpu.memory_space<hbm>>
      %dma_start3A_18 = arith.constant 0 : i32
      %dma_start3A_19 = arith.constant 0 : i32
      %dma_start3A_20 = tpu.memref_slice %arg4[%add3A, %dma_start3A_18, %dma_start3A_19] : memref<32x80x128xi32, #tpu.memory_space<hbm>> -> memref<1x80x128xi32, #tpu.memory_space<hbm>>
      %dma_start3A_21 = tpu.memref_squeeze %dma_start3A_20 : memref<1x80x128xi32, #tpu.memory_space<hbm>> -> memref<80x128xi32, #tpu.memory_space<hbm>>
      tpu.enqueue_dma source(%dma_start3A_21 : memref<80x128xi32, #tpu.memory_space<hbm>>) target(%arg8 : memref<80x128xi32, #tpu.memory_space<vmem>>) target_semaphore(%run_scoped3A : memref<!tpu.dma_semaphore, #tpu.memory_space<semaphore_mem>>)
      %dma_wait3A = arith.constant 0 : i32
      %dma_wait3A_22 = arith.constant 0 : i32
      %dma_wait3A_23 = tpu.memref_slice %arg4[%add3A, %dma_wait3A, %dma_wait3A_22] : memref<32x80x128xi32, #tpu.memory_space<hbm>> -> memref<1x80x128xi32, #tpu.memory_space<hbm>>
      %dma_wait3A_24 = tpu.memref_squeeze %dma_wait3A_23 : memref<1x80x128xi32, #tpu.memory_space<hbm>> -> memref<80x128xi32, #tpu.memory_space<hbm>>
      %dma_wait3A_25 = arith.constant 0 : i32
      %dma_wait3A_26 = arith.constant 0 : i32
      %dma_wait3A_27 = tpu.memref_slice %arg4[%add3A, %dma_wait3A_25, %dma_wait3A_26] : memref<32x80x128xi32, #tpu.memory_space<hbm>> -> memref<1x80x128xi32, #tpu.memory_space<hbm>>
      %dma_wait3A_28 = tpu.memref_squeeze %dma_wait3A_27 : memref<1x80x128xi32, #tpu.memory_space<hbm>> -> memref<80x128xi32, #tpu.memory_space<hbm>>
      tpu.wait_dma2 semaphore(%run_scoped3A : memref<!tpu.dma_semaphore, #tpu.memory_space<semaphore_mem>>) src(%dma_wait3A_28 : memref<80x128xi32, #tpu.memory_space<hbm>>) dst(%arg8 : memref<80x128xi32, #tpu.memory_space<vmem>>)
      tpu.yield
    }) : () -> ()
    %barrier3A = arith.constant 0 : index
    tpu.barrier barrier_id(%barrier3A)
    %scan3A = arith.constant 0 : i32
    %scan3A_5 = arith.constant 0 : i32
    %scan3A_6 = arith.constant 80 : i32
    %scan3A_7 = arith.addi %scan3A_5, %scan3A_6 : i32
    %scan3A_8 = arith.constant 1 : i32
    scf.for %scan3A_15 = %scan3A_5 to %scan3A_7 step %scan3A_8  : i32 {
      %dma_start3A = arith.constant 0 : i32
      %dma_start3A_16 = tpu.memref_slice %arg7[%scan3A_15, %dma_start3A] : memref<80x128xi32, #tpu.memory_space<vmem>> -> memref<1x128xi32, #tpu.memory_space<vmem>>
      %dma_start3A_17 = tpu.memref_squeeze %dma_start3A_16 : memref<1x128xi32, #tpu.memory_space<vmem>> -> memref<128xi32, #tpu.memory_space<vmem>>
      %dma_start3A_18 = arith.constant 0 : i32
      %dma_start3A_19 = arith.constant 0 : i32
      %dma_start3A_20 = tpu.memref_slice %arg2[%dma_start3A_18, %dma_start3A_19] : memref<10240x128xf32, #tpu.memory_space<hbm>> -> memref<10240x128xf32, #tpu.memory_space<hbm>>
      tpu.enqueue_indirect_dma source(%dma_start3A_20 : memref<10240x128xf32, #tpu.memory_space<hbm>>) target(%arg9 : memref<128x128xf32, #tpu.memory_space<vmem>>) offsets(%dma_start3A_17 : memref<128xi32, #tpu.memory_space<vmem>>) semaphore(%arg11 : memref<!tpu.dma_semaphore, #tpu.memory_space<semaphore_mem>>)
      %dma_wait3A = arith.constant 0 : i32
      %dma_wait3A_21 = tpu.memref_slice %arg7[%scan3A_15, %dma_wait3A] : memref<80x128xi32, #tpu.memory_space<vmem>> -> memref<1x128xi32, #tpu.memory_space<vmem>>
      %dma_wait3A_22 = tpu.memref_squeeze %dma_wait3A_21 : memref<1x128xi32, #tpu.memory_space<vmem>> -> memref<128xi32, #tpu.memory_space<vmem>>
      %dma_wait3A_23 = arith.constant 0 : i32
      %dma_wait3A_24 = arith.constant 0 : i32
      %dma_wait3A_25 = tpu.memref_slice %arg2[%dma_wait3A_23, %dma_wait3A_24] : memref<10240x128xf32, #tpu.memory_space<hbm>> -> memref<10240x128xf32, #tpu.memory_space<hbm>>
      tpu.wait_indirect_dma semaphore(%arg11 : memref<!tpu.dma_semaphore, #tpu.memory_space<semaphore_mem>>) src(%dma_wait3A_25 : memref<10240x128xf32, #tpu.memory_space<hbm>>) dst(%arg9 : memref<128x128xf32, #tpu.memory_space<vmem>>)
      "tpu.region"() ({
        %run_scoped3A = tpu.sem_alloc : memref<!tpu.dma_semaphore, #tpu.memory_space<semaphore_mem>>
        %dma_start3A_26 = arith.constant 0 : i32
        %dma_start3A_27 = tpu.memref_slice %arg8[%scan3A_15, %dma_start3A_26] : memref<80x128xi32, #tpu.memory_space<vmem>> -> memref<1x128xi32, #tpu.memory_space<vmem>>
        %dma_start3A_28 = tpu.memref_squeeze %dma_start3A_27 : memref<1x128xi32, #tpu.memory_space<vmem>> -> memref<128xi32, #tpu.memory_space<vmem>>
        %dma_start3A_29 = arith.constant 0 : i32
        %dma_start3A_30 = arith.constant 0 : i32
        %dma_start3A_31 = tpu.memref_slice %arg10[%dma_start3A_29, %dma_start3A_30] : memref<10240x128xf32, #tpu.memory_space<vmem_shared>> -> memref<10240x128xf32, #tpu.memory_space<vmem_shared>>
        tpu.enqueue_indirect_dma source(%arg9 : memref<128x128xf32, #tpu.memory_space<vmem>>) target(%dma_start3A_31 : memref<10240x128xf32, #tpu.memory_space<vmem_shared>>) offsets(%dma_start3A_28 : memref<128xi32, #tpu.memory_space<vmem>>) semaphore(%run_scoped3A : memref<!tpu.dma_semaphore, #tpu.memory_space<semaphore_mem>>) {add = true}
        %dma_wait3A_32 = arith.constant 0 : i32
        %dma_wait3A_33 = tpu.memref_slice %arg8[%scan3A_15, %dma_wait3A_32] : memref<80x128xi32, #tpu.memory_space<vmem>> -> memref<1x128xi32, #tpu.memory_space<vmem>>
        %dma_wait3A_34 = tpu.memref_squeeze %dma_wait3A_33 : memref<1x128xi32, #tpu.memory_space<vmem>> -> memref<128xi32, #tpu.memory_space<vmem>>
        %dma_wait3A_35 = arith.constant 0 : i32
        %dma_wait3A_36 = arith.constant 0 : i32
        %dma_wait3A_37 = tpu.memref_slice %arg10[%dma_wait3A_35, %dma_wait3A_36] : memref<10240x128xf32, #tpu.memory_space<vmem_shared>> -> memref<10240x128xf32, #tpu.memory_space<vmem_shared>>
        tpu.wait_indirect_dma semaphore(%run_scoped3A : memref<!tpu.dma_semaphore, #tpu.memory_space<semaphore_mem>>) src(%arg9 : memref<128x128xf32, #tpu.memory_space<vmem>>) dst(%dma_wait3A_37 : memref<10240x128xf32, #tpu.memory_space<vmem_shared>>)
        tpu.yield
      }) : () -> ()
    }
    %scan3A_9 = arith.constant 80 : i32
    %barrier3A_10 = arith.constant 0 : index
    tpu.barrier barrier_id(%barrier3A_10)
    %mul3A_11 = arith.constant 640 : i32
    %mul3A_12 = arith.muli %arg1, %mul3A_11 : i32
    %mul3A_13 = arith.constant 640 : i32
    %mul3A_14 = arith.muli %arg1, %mul3A_13 : i32
    "tpu.region"() ({
      %run_scoped3A = tpu.sem_alloc : memref<!tpu.dma_semaphore, #tpu.memory_space<semaphore_mem>>
      %dma_start3A = arith.constant 0 : i32
      %dma_start3A_15 = tpu.memref_slice %arg6[%arg0, %mul3A_14, %dma_start3A] : memref<2x10240x128xf32, #tpu.memory_space<hbm>> -> memref<1x640x128xf32, #tpu.memory_space<hbm>>
      %dma_start3A_16 = tpu.memref_squeeze %dma_start3A_15 : memref<1x640x128xf32, #tpu.memory_space<hbm>> -> memref<640x128xf32, #tpu.memory_space<hbm>>
      %dma_start3A_17 = arith.constant 0 : i32
      %dma_start3A_18 = tpu.memref_slice %arg10[%mul3A_12, %dma_start3A_17] : memref<10240x128xf32, #tpu.memory_space<vmem_shared>> -> memref<640x128xf32, #tpu.memory_space<vmem_shared>>
      tpu.enqueue_dma source(%dma_start3A_18 : memref<640x128xf32, #tpu.memory_space<vmem_shared>>) target(%dma_start3A_16 : memref<640x128xf32, #tpu.memory_space<hbm>>) target_semaphore(%run_scoped3A : memref<!tpu.dma_semaphore, #tpu.memory_space<semaphore_mem>>)
      %dma_wait3A = arith.constant 0 : i32
      %dma_wait3A_19 = tpu.memref_slice %arg6[%arg0, %mul3A_14, %dma_wait3A] : memref<2x10240x128xf32, #tpu.memory_space<hbm>> -> memref<1x640x128xf32, #tpu.memory_space<hbm>>
      %dma_wait3A_20 = tpu.memref_squeeze %dma_wait3A_19 : memref<1x640x128xf32, #tpu.memory_space<hbm>> -> memref<640x128xf32, #tpu.memory_space<hbm>>
      %dma_wait3A_21 = arith.constant 0 : i32
      %dma_wait3A_22 = tpu.memref_slice %arg10[%mul3A_12, %dma_wait3A_21] : memref<10240x128xf32, #tpu.memory_space<vmem_shared>> -> memref<640x128xf32, #tpu.memory_space<vmem_shared>>
      tpu.wait_dma2 semaphore(%run_scoped3A : memref<!tpu.dma_semaphore, #tpu.memory_space<semaphore_mem>>) src(%dma_wait3A_22 : memref<640x128xf32, #tpu.memory_space<vmem_shared>>) dst(%dma_wait3A_20 : memref<640x128xf32, #tpu.memory_space<hbm>>)
      tpu.yield
    }) : () -> ()
    return
  }
}

#map = affine_map<(d0, d1) -> (0, 0)>
#map1 = affine_map<(d0, d1) -> (0, 0, 0)>
module attributes {stable_mosaic.version = 14 : i64} {
  func.func @sc_scatter(%arg0: i32, %arg1: i32, %arg2: memref<10240x128xf32, #tpu.memory_space<hbm>>, %arg3: memref<32x80x128xi32, #tpu.memory_space<hbm>>, %arg4: memref<32x80x128xi32, #tpu.memory_space<hbm>>, %arg5: memref<10240x128xf32, #tpu.memory_space<hbm>>, %arg6: memref<2x10240x128xf32, #tpu.memory_space<hbm>>, %arg7: memref<80x128xi32, #tpu.memory_space<vmem>>, %arg8: memref<80x128xi32, #tpu.memory_space<vmem>>, %arg9: memref<128x128xf32, #tpu.memory_space<vmem>>, %arg10: memref<10240x128xf32, #tpu.memory_space<vmem_shared>>, %arg11: memref<!tpu.dma_semaphore, #tpu.memory_space<semaphore_mem>>) attributes {dimension_semantics = [#tpu.dimension_semantics<core_parallel>, #tpu.dimension_semantics<subcore_parallel>], iteration_bounds = array<i64: 2, 16>, scalar_prefetch = 0 : i64, scratch_operands = 5 : i64, tpu.core_type = #tpu.core_type<sc_vector_subcore>, window_params = [{transform_indices = #map}, {transform_indices = #map1}, {transform_indices = #map1}, {transform_indices = #map}, {transform_indices = #map1}]} {
    %mul3A = arith.constant 2 : i32
    %mul3A_0 = arith.muli %arg1, %mul3A : i32
    %add3A = arith.addi %mul3A_0, %arg0 : i32
    %mul3A_1 = arith.constant 640 : i32
    %mul3A_2 = arith.muli %arg1, %mul3A_1 : i32
    %mul3A_3 = arith.constant 640 : i32
    %mul3A_4 = arith.muli %arg1, %mul3A_3 : i32
    "tpu.region"() ({
      %run_scoped3A = tpu.sem_alloc : memref<!tpu.dma_semaphore, #tpu.memory_space<semaphore_mem>>
      %dma_start3A = arith.constant 0 : i32
      %dma_start3A_15 = tpu.memref_slice %arg10[%mul3A_4, %dma_start3A] : memref<10240x128xf32, #tpu.memory_space<vmem_shared>> -> memref<640x128xf32, #tpu.memory_space<vmem_shared>>
      %dma_start3A_16 = arith.constant 0 : i32
      %dma_start3A_17 = tpu.memref_slice %arg5[%mul3A_2, %dma_start3A_16] : memref<10240x128xf32, #tpu.memory_space<hbm>> -> memref<640x128xf32, #tpu.memory_space<hbm>>
      tpu.enqueue_dma source(%dma_start3A_17 : memref<640x128xf32, #tpu.memory_space<hbm>>) target(%dma_start3A_15 : memref<640x128xf32, #tpu.memory_space<vmem_shared>>) target_semaphore(%run_scoped3A : memref<!tpu.dma_semaphore, #tpu.memory_space<semaphore_mem>>)
      %dma_wait3A = arith.constant 0 : i32
      %dma_wait3A_18 = tpu.memref_slice %arg10[%mul3A_4, %dma_wait3A] : memref<10240x128xf32, #tpu.memory_space<vmem_shared>> -> memref<640x128xf32, #tpu.memory_space<vmem_shared>>
      %dma_wait3A_19 = arith.constant 0 : i32
      %dma_wait3A_20 = tpu.memref_slice %arg5[%mul3A_2, %dma_wait3A_19] : memref<10240x128xf32, #tpu.memory_space<hbm>> -> memref<640x128xf32, #tpu.memory_space<hbm>>
      tpu.wait_dma2 semaphore(%run_scoped3A : memref<!tpu.dma_semaphore, #tpu.memory_space<semaphore_mem>>) src(%dma_wait3A_20 : memref<640x128xf32, #tpu.memory_space<hbm>>) dst(%dma_wait3A_18 : memref<640x128xf32, #tpu.memory_space<vmem_shared>>)
      tpu.yield
    }) : () -> ()
    "tpu.region"() ({
      %run_scoped3A = tpu.sem_alloc : memref<!tpu.dma_semaphore, #tpu.memory_space<semaphore_mem>>
      %dma_start3A = arith.constant 0 : i32
      %dma_start3A_15 = arith.constant 0 : i32
      %dma_start3A_16 = tpu.memref_slice %arg3[%add3A, %dma_start3A, %dma_start3A_15] : memref<32x80x128xi32, #tpu.memory_space<hbm>> -> memref<1x80x128xi32, #tpu.memory_space<hbm>>
      %dma_start3A_17 = tpu.memref_squeeze %dma_start3A_16 : memref<1x80x128xi32, #tpu.memory_space<hbm>> -> memref<80x128xi32, #tpu.memory_space<hbm>>
      %dma_start3A_18 = arith.constant 0 : i32
      %dma_start3A_19 = arith.constant 0 : i32
      %dma_start3A_20 = tpu.memref_slice %arg3[%add3A, %dma_start3A_18, %dma_start3A_19] : memref<32x80x128xi32, #tpu.memory_space<hbm>> -> memref<1x80x128xi32, #tpu.memory_space<hbm>>
      %dma_start3A_21 = tpu.memref_squeeze %dma_start3A_20 : memref<1x80x128xi32, #tpu.memory_space<hbm>> -> memref<80x128xi32, #tpu.memory_space<hbm>>
      tpu.enqueue_dma source(%dma_start3A_21 : memref<80x128xi32, #tpu.memory_space<hbm>>) target(%arg7 : memref<80x128xi32, #tpu.memory_space<vmem>>) target_semaphore(%run_scoped3A : memref<!tpu.dma_semaphore, #tpu.memory_space<semaphore_mem>>)
      %dma_wait3A = arith.constant 0 : i32
      %dma_wait3A_22 = arith.constant 0 : i32
      %dma_wait3A_23 = tpu.memref_slice %arg3[%add3A, %dma_wait3A, %dma_wait3A_22] : memref<32x80x128xi32, #tpu.memory_space<hbm>> -> memref<1x80x128xi32, #tpu.memory_space<hbm>>
      %dma_wait3A_24 = tpu.memref_squeeze %dma_wait3A_23 : memref<1x80x128xi32, #tpu.memory_space<hbm>> -> memref<80x128xi32, #tpu.memory_space<hbm>>
      %dma_wait3A_25 = arith.constant 0 : i32
      %dma_wait3A_26 = arith.constant 0 : i32
      %dma_wait3A_27 = tpu.memref_slice %arg3[%add3A, %dma_wait3A_25, %dma_wait3A_26] : memref<32x80x128xi32, #tpu.memory_space<hbm>> -> memref<1x80x128xi32, #tpu.memory_space<hbm>>
      %dma_wait3A_28 = tpu.memref_squeeze %dma_wait3A_27 : memref<1x80x128xi32, #tpu.memory_space<hbm>> -> memref<80x128xi32, #tpu.memory_space<hbm>>
      tpu.wait_dma2 semaphore(%run_scoped3A : memref<!tpu.dma_semaphore, #tpu.memory_space<semaphore_mem>>) src(%dma_wait3A_28 : memref<80x128xi32, #tpu.memory_space<hbm>>) dst(%arg7 : memref<80x128xi32, #tpu.memory_space<vmem>>)
      tpu.yield
    }) : () -> ()
    "tpu.region"() ({
      %run_scoped3A = tpu.sem_alloc : memref<!tpu.dma_semaphore, #tpu.memory_space<semaphore_mem>>
      %dma_start3A = arith.constant 0 : i32
      %dma_start3A_15 = arith.constant 0 : i32
      %dma_start3A_16 = tpu.memref_slice %arg4[%add3A, %dma_start3A, %dma_start3A_15] : memref<32x80x128xi32, #tpu.memory_space<hbm>> -> memref<1x80x128xi32, #tpu.memory_space<hbm>>
      %dma_start3A_17 = tpu.memref_squeeze %dma_start3A_16 : memref<1x80x128xi32, #tpu.memory_space<hbm>> -> memref<80x128xi32, #tpu.memory_space<hbm>>
      %dma_start3A_18 = arith.constant 0 : i32
      %dma_start3A_19 = arith.constant 0 : i32
      %dma_start3A_20 = tpu.memref_slice %arg4[%add3A, %dma_start3A_18, %dma_start3A_19] : memref<32x80x128xi32, #tpu.memory_space<hbm>> -> memref<1x80x128xi32, #tpu.memory_space<hbm>>
      %dma_start3A_21 = tpu.memref_squeeze %dma_start3A_20 : memref<1x80x128xi32, #tpu.memory_space<hbm>> -> memref<80x128xi32, #tpu.memory_space<hbm>>
      tpu.enqueue_dma source(%dma_start3A_21 : memref<80x128xi32, #tpu.memory_space<hbm>>) target(%arg8 : memref<80x128xi32, #tpu.memory_space<vmem>>) target_semaphore(%run_scoped3A : memref<!tpu.dma_semaphore, #tpu.memory_space<semaphore_mem>>)
      %dma_wait3A = arith.constant 0 : i32
      %dma_wait3A_22 = arith.constant 0 : i32
      %dma_wait3A_23 = tpu.memref_slice %arg4[%add3A, %dma_wait3A, %dma_wait3A_22] : memref<32x80x128xi32, #tpu.memory_space<hbm>> -> memref<1x80x128xi32, #tpu.memory_space<hbm>>
      %dma_wait3A_24 = tpu.memref_squeeze %dma_wait3A_23 : memref<1x80x128xi32, #tpu.memory_space<hbm>> -> memref<80x128xi32, #tpu.memory_space<hbm>>
      %dma_wait3A_25 = arith.constant 0 : i32
      %dma_wait3A_26 = arith.constant 0 : i32
      %dma_wait3A_27 = tpu.memref_slice %arg4[%add3A, %dma_wait3A_25, %dma_wait3A_26] : memref<32x80x128xi32, #tpu.memory_space<hbm>> -> memref<1x80x128xi32, #tpu.memory_space<hbm>>
      %dma_wait3A_28 = tpu.memref_squeeze %dma_wait3A_27 : memref<1x80x128xi32, #tpu.memory_space<hbm>> -> memref<80x128xi32, #tpu.memory_space<hbm>>
      tpu.wait_dma2 semaphore(%run_scoped3A : memref<!tpu.dma_semaphore, #tpu.memory_space<semaphore_mem>>) src(%dma_wait3A_28 : memref<80x128xi32, #tpu.memory_space<hbm>>) dst(%arg8 : memref<80x128xi32, #tpu.memory_space<vmem>>)
      tpu.yield
    }) : () -> ()
    %barrier3A = arith.constant 0 : index
    tpu.barrier barrier_id(%barrier3A)
    %scan3A = arith.constant 0 : i32
    %scan3A_5 = arith.constant 0 : i32
    %scan3A_6 = arith.constant 80 : i32
    %scan3A_7 = arith.addi %scan3A_5, %scan3A_6 : i32
    %scan3A_8 = arith.constant 1 : i32
    scf.for %scan3A_15 = %scan3A_5 to %scan3A_7 step %scan3A_8  : i32 {
      %dma_start3A = arith.constant 0 : i32
      %dma_start3A_16 = tpu.memref_slice %arg7[%scan3A_15, %dma_start3A] : memref<80x128xi32, #tpu.memory_space<vmem>> -> memref<1x128xi32, #tpu.memory_space<vmem>>
      %dma_start3A_17 = tpu.memref_squeeze %dma_start3A_16 : memref<1x128xi32, #tpu.memory_space<vmem>> -> memref<128xi32, #tpu.memory_space<vmem>>
      %dma_start3A_18 = arith.constant 0 : i32
      %dma_start3A_19 = arith.constant 0 : i32
      %dma_start3A_20 = tpu.memref_slice %arg2[%dma_start3A_18, %dma_start3A_19] : memref<10240x128xf32, #tpu.memory_space<hbm>> -> memref<10240x128xf32, #tpu.memory_space<hbm>>
      tpu.enqueue_indirect_dma source(%dma_start3A_20 : memref<10240x128xf32, #tpu.memory_space<hbm>>) target(%arg9 : memref<128x128xf32, #tpu.memory_space<vmem>>) offsets(%dma_start3A_17 : memref<128xi32, #tpu.memory_space<vmem>>) semaphore(%arg11 : memref<!tpu.dma_semaphore, #tpu.memory_space<semaphore_mem>>)
      %dma_wait3A = arith.constant 0 : i32
      %dma_wait3A_21 = tpu.memref_slice %arg7[%scan3A_15, %dma_wait3A] : memref<80x128xi32, #tpu.memory_space<vmem>> -> memref<1x128xi32, #tpu.memory_space<vmem>>
      %dma_wait3A_22 = tpu.memref_squeeze %dma_wait3A_21 : memref<1x128xi32, #tpu.memory_space<vmem>> -> memref<128xi32, #tpu.memory_space<vmem>>
      %dma_wait3A_23 = arith.constant 0 : i32
      %dma_wait3A_24 = arith.constant 0 : i32
      %dma_wait3A_25 = tpu.memref_slice %arg2[%dma_wait3A_23, %dma_wait3A_24] : memref<10240x128xf32, #tpu.memory_space<hbm>> -> memref<10240x128xf32, #tpu.memory_space<hbm>>
      tpu.wait_indirect_dma semaphore(%arg11 : memref<!tpu.dma_semaphore, #tpu.memory_space<semaphore_mem>>) src(%dma_wait3A_25 : memref<10240x128xf32, #tpu.memory_space<hbm>>) dst(%arg9 : memref<128x128xf32, #tpu.memory_space<vmem>>)
      "tpu.region"() ({
        %run_scoped3A = tpu.sem_alloc : memref<!tpu.dma_semaphore, #tpu.memory_space<semaphore_mem>>
        %dma_start3A_26 = arith.constant 0 : i32
        %dma_start3A_27 = tpu.memref_slice %arg8[%scan3A_15, %dma_start3A_26] : memref<80x128xi32, #tpu.memory_space<vmem>> -> memref<1x128xi32, #tpu.memory_space<vmem>>
        %dma_start3A_28 = tpu.memref_squeeze %dma_start3A_27 : memref<1x128xi32, #tpu.memory_space<vmem>> -> memref<128xi32, #tpu.memory_space<vmem>>
        %dma_start3A_29 = arith.constant 0 : i32
        %dma_start3A_30 = arith.constant 0 : i32
        %dma_start3A_31 = tpu.memref_slice %arg10[%dma_start3A_29, %dma_start3A_30] : memref<10240x128xf32, #tpu.memory_space<vmem_shared>> -> memref<10240x128xf32, #tpu.memory_space<vmem_shared>>
        tpu.enqueue_indirect_dma source(%arg9 : memref<128x128xf32, #tpu.memory_space<vmem>>) target(%dma_start3A_31 : memref<10240x128xf32, #tpu.memory_space<vmem_shared>>) offsets(%dma_start3A_28 : memref<128xi32, #tpu.memory_space<vmem>>) semaphore(%run_scoped3A : memref<!tpu.dma_semaphore, #tpu.memory_space<semaphore_mem>>) {add = true}
        %dma_wait3A_32 = arith.constant 0 : i32
        %dma_wait3A_33 = tpu.memref_slice %arg8[%scan3A_15, %dma_wait3A_32] : memref<80x128xi32, #tpu.memory_space<vmem>> -> memref<1x128xi32, #tpu.memory_space<vmem>>
        %dma_wait3A_34 = tpu.memref_squeeze %dma_wait3A_33 : memref<1x128xi32, #tpu.memory_space<vmem>> -> memref<128xi32, #tpu.memory_space<vmem>>
        %dma_wait3A_35 = arith.constant 0 : i32
        %dma_wait3A_36 = arith.constant 0 : i32
        %dma_wait3A_37 = tpu.memref_slice %arg10[%dma_wait3A_35, %dma_wait3A_36] : memref<10240x128xf32, #tpu.memory_space<vmem_shared>> -> memref<10240x128xf32, #tpu.memory_space<vmem_shared>>
        tpu.wait_indirect_dma semaphore(%run_scoped3A : memref<!tpu.dma_semaphore, #tpu.memory_space<semaphore_mem>>) src(%arg9 : memref<128x128xf32, #tpu.memory_space<vmem>>) dst(%dma_wait3A_37 : memref<10240x128xf32, #tpu.memory_space<vmem_shared>>)
        tpu.yield
      }) : () -> ()
    }
    %scan3A_9 = arith.constant 80 : i32
    %barrier3A_10 = arith.constant 0 : index
    tpu.barrier barrier_id(%barrier3A_10)
    %mul3A_11 = arith.constant 640 : i32
    %mul3A_12 = arith.muli %arg1, %mul3A_11 : i32
    %mul3A_13 = arith.constant 640 : i32
    %mul3A_14 = arith.muli %arg1, %mul3A_13 : i32
    "tpu.region"() ({
      %run_scoped3A = tpu.sem_alloc : memref<!tpu.dma_semaphore, #tpu.memory_space<semaphore_mem>>
      %dma_start3A = arith.constant 0 : i32
      %dma_start3A_15 = tpu.memref_slice %arg6[%arg0, %mul3A_14, %dma_start3A] : memref<2x10240x128xf32, #tpu.memory_space<hbm>> -> memref<1x640x128xf32, #tpu.memory_space<hbm>>
      %dma_start3A_16 = tpu.memref_squeeze %dma_start3A_15 : memref<1x640x128xf32, #tpu.memory_space<hbm>> -> memref<640x128xf32, #tpu.memory_space<hbm>>
      %dma_start3A_17 = arith.constant 0 : i32
      %dma_start3A_18 = tpu.memref_slice %arg10[%mul3A_12, %dma_start3A_17] : memref<10240x128xf32, #tpu.memory_space<vmem_shared>> -> memref<640x128xf32, #tpu.memory_space<vmem_shared>>
      tpu.enqueue_dma source(%dma_start3A_18 : memref<640x128xf32, #tpu.memory_space<vmem_shared>>) target(%dma_start3A_16 : memref<640x128xf32, #tpu.memory_space<hbm>>) target_semaphore(%run_scoped3A : memref<!tpu.dma_semaphore, #tpu.memory_space<semaphore_mem>>)
      %dma_wait3A = arith.constant 0 : i32
      %dma_wait3A_19 = tpu.memref_slice %arg6[%arg0, %mul3A_14, %dma_wait3A] : memref<2x10240x128xf32, #tpu.memory_space<hbm>> -> memref<1x640x128xf32, #tpu.memory_space<hbm>>
      %dma_wait3A_20 = tpu.memref_squeeze %dma_wait3A_19 : memref<1x640x128xf32, #tpu.memory_space<hbm>> -> memref<640x128xf32, #tpu.memory_space<hbm>>
      %dma_wait3A_21 = arith.constant 0 : i32
      %dma_wait3A_22 = tpu.memref_slice %arg10[%mul3A_12, %dma_wait3A_21] : memref<10240x128xf32, #tpu.memory_space<vmem_shared>> -> memref<640x128xf32, #tpu.memory_space<vmem_shared>>
      tpu.wait_dma2 semaphore(%run_scoped3A : memref<!tpu.dma_semaphore, #tpu.memory_space<semaphore_mem>>) src(%dma_wait3A_22 : memref<640x128xf32, #tpu.memory_space<vmem_shared>>) dst(%dma_wait3A_20 : memref<640x128xf32, #tpu.memory_space<hbm>>)
      tpu.yield
    }) : () -> ()
    return
  }
}

#map = affine_map<(d0, d1) -> (0, 0, 0)>
#map1 = affine_map<(d0, d1) -> (0, 0)>
module attributes {stable_mosaic.version = 14 : i64} {
  func.func @_sc_degree(%arg0: i32, %arg1: i32, %arg2: memref<32x80x128xi32, #tpu.memory_space<hbm>>, %arg3: memref<10240x128xf32, #tpu.memory_space<hbm>>, %arg4: memref<128x128xf32, #tpu.memory_space<hbm>>, %arg5: memref<2x10240x128xf32, #tpu.memory_space<hbm>>, %arg6: memref<80x128xi32, #tpu.memory_space<vmem>>, %arg7: memref<128x128xf32, #tpu.memory_space<vmem>>, %arg8: memref<10240x128xf32, #tpu.memory_space<vmem_shared>>) attributes {dimension_semantics = [#tpu.dimension_semantics<core_parallel>, #tpu.dimension_semantics<subcore_parallel>], iteration_bounds = array<i64: 2, 16>, scalar_prefetch = 0 : i64, scratch_operands = 3 : i64, tpu.core_type = #tpu.core_type<sc_vector_subcore>, window_params = [{transform_indices = #map}, {transform_indices = #map1}, {transform_indices = #map1}, {transform_indices = #map}]} {
    %mul3A = arith.constant 2 : i32
    %mul3A_0 = arith.muli %arg1, %mul3A : i32
    %add3A = arith.addi %mul3A_0, %arg0 : i32
    %mul3A_1 = arith.constant 640 : i32
    %mul3A_2 = arith.muli %arg1, %mul3A_1 : i32
    %mul3A_3 = arith.constant 640 : i32
    %mul3A_4 = arith.muli %arg1, %mul3A_3 : i32
    "tpu.region"() ({
      %run_scoped3A = tpu.sem_alloc : memref<!tpu.dma_semaphore, #tpu.memory_space<semaphore_mem>>
      %dma_start3A = arith.constant 0 : i32
      %dma_start3A_15 = tpu.memref_slice %arg8[%mul3A_4, %dma_start3A] : memref<10240x128xf32, #tpu.memory_space<vmem_shared>> -> memref<640x128xf32, #tpu.memory_space<vmem_shared>>
      %dma_start3A_16 = arith.constant 0 : i32
      %dma_start3A_17 = tpu.memref_slice %arg3[%mul3A_2, %dma_start3A_16] : memref<10240x128xf32, #tpu.memory_space<hbm>> -> memref<640x128xf32, #tpu.memory_space<hbm>>
      tpu.enqueue_dma source(%dma_start3A_17 : memref<640x128xf32, #tpu.memory_space<hbm>>) target(%dma_start3A_15 : memref<640x128xf32, #tpu.memory_space<vmem_shared>>) target_semaphore(%run_scoped3A : memref<!tpu.dma_semaphore, #tpu.memory_space<semaphore_mem>>)
      %dma_wait3A = arith.constant 0 : i32
      %dma_wait3A_18 = tpu.memref_slice %arg8[%mul3A_4, %dma_wait3A] : memref<10240x128xf32, #tpu.memory_space<vmem_shared>> -> memref<640x128xf32, #tpu.memory_space<vmem_shared>>
      %dma_wait3A_19 = arith.constant 0 : i32
      %dma_wait3A_20 = tpu.memref_slice %arg3[%mul3A_2, %dma_wait3A_19] : memref<10240x128xf32, #tpu.memory_space<hbm>> -> memref<640x128xf32, #tpu.memory_space<hbm>>
      tpu.wait_dma2 semaphore(%run_scoped3A : memref<!tpu.dma_semaphore, #tpu.memory_space<semaphore_mem>>) src(%dma_wait3A_20 : memref<640x128xf32, #tpu.memory_space<hbm>>) dst(%dma_wait3A_18 : memref<640x128xf32, #tpu.memory_space<vmem_shared>>)
      tpu.yield
    }) : () -> ()
    "tpu.region"() ({
      %run_scoped3A = tpu.sem_alloc : memref<!tpu.dma_semaphore, #tpu.memory_space<semaphore_mem>>
      %dma_start3A = arith.constant 0 : i32
      %dma_start3A_15 = arith.constant 0 : i32
      %dma_start3A_16 = tpu.memref_slice %arg2[%add3A, %dma_start3A, %dma_start3A_15] : memref<32x80x128xi32, #tpu.memory_space<hbm>> -> memref<1x80x128xi32, #tpu.memory_space<hbm>>
      %dma_start3A_17 = tpu.memref_squeeze %dma_start3A_16 : memref<1x80x128xi32, #tpu.memory_space<hbm>> -> memref<80x128xi32, #tpu.memory_space<hbm>>
      %dma_start3A_18 = arith.constant 0 : i32
      %dma_start3A_19 = arith.constant 0 : i32
      %dma_start3A_20 = tpu.memref_slice %arg2[%add3A, %dma_start3A_18, %dma_start3A_19] : memref<32x80x128xi32, #tpu.memory_space<hbm>> -> memref<1x80x128xi32, #tpu.memory_space<hbm>>
      %dma_start3A_21 = tpu.memref_squeeze %dma_start3A_20 : memref<1x80x128xi32, #tpu.memory_space<hbm>> -> memref<80x128xi32, #tpu.memory_space<hbm>>
      tpu.enqueue_dma source(%dma_start3A_21 : memref<80x128xi32, #tpu.memory_space<hbm>>) target(%arg6 : memref<80x128xi32, #tpu.memory_space<vmem>>) target_semaphore(%run_scoped3A : memref<!tpu.dma_semaphore, #tpu.memory_space<semaphore_mem>>)
      %dma_wait3A = arith.constant 0 : i32
      %dma_wait3A_22 = arith.constant 0 : i32
      %dma_wait3A_23 = tpu.memref_slice %arg2[%add3A, %dma_wait3A, %dma_wait3A_22] : memref<32x80x128xi32, #tpu.memory_space<hbm>> -> memref<1x80x128xi32, #tpu.memory_space<hbm>>
      %dma_wait3A_24 = tpu.memref_squeeze %dma_wait3A_23 : memref<1x80x128xi32, #tpu.memory_space<hbm>> -> memref<80x128xi32, #tpu.memory_space<hbm>>
      %dma_wait3A_25 = arith.constant 0 : i32
      %dma_wait3A_26 = arith.constant 0 : i32
      %dma_wait3A_27 = tpu.memref_slice %arg2[%add3A, %dma_wait3A_25, %dma_wait3A_26] : memref<32x80x128xi32, #tpu.memory_space<hbm>> -> memref<1x80x128xi32, #tpu.memory_space<hbm>>
      %dma_wait3A_28 = tpu.memref_squeeze %dma_wait3A_27 : memref<1x80x128xi32, #tpu.memory_space<hbm>> -> memref<80x128xi32, #tpu.memory_space<hbm>>
      tpu.wait_dma2 semaphore(%run_scoped3A : memref<!tpu.dma_semaphore, #tpu.memory_space<semaphore_mem>>) src(%dma_wait3A_28 : memref<80x128xi32, #tpu.memory_space<hbm>>) dst(%arg6 : memref<80x128xi32, #tpu.memory_space<vmem>>)
      tpu.yield
    }) : () -> ()
    "tpu.region"() ({
      %run_scoped3A = tpu.sem_alloc : memref<!tpu.dma_semaphore, #tpu.memory_space<semaphore_mem>>
      tpu.enqueue_dma source(%arg4 : memref<128x128xf32, #tpu.memory_space<hbm>>) target(%arg7 : memref<128x128xf32, #tpu.memory_space<vmem>>) target_semaphore(%run_scoped3A : memref<!tpu.dma_semaphore, #tpu.memory_space<semaphore_mem>>)
      tpu.wait_dma2 semaphore(%run_scoped3A : memref<!tpu.dma_semaphore, #tpu.memory_space<semaphore_mem>>) src(%arg4 : memref<128x128xf32, #tpu.memory_space<hbm>>) dst(%arg7 : memref<128x128xf32, #tpu.memory_space<vmem>>)
      tpu.yield
    }) : () -> ()
    %barrier3A = arith.constant 0 : index
    tpu.barrier barrier_id(%barrier3A)
    %scan3A = arith.constant 0 : i32
    %scan3A_5 = arith.constant 0 : i32
    %scan3A_6 = arith.constant 80 : i32
    %scan3A_7 = arith.addi %scan3A_5, %scan3A_6 : i32
    %scan3A_8 = arith.constant 1 : i32
    scf.for %scan3A_15 = %scan3A_5 to %scan3A_7 step %scan3A_8  : i32 {
      "tpu.region"() ({
        %run_scoped3A = tpu.sem_alloc : memref<!tpu.dma_semaphore, #tpu.memory_space<semaphore_mem>>
        %dma_start3A = arith.constant 0 : i32
        %dma_start3A_16 = tpu.memref_slice %arg6[%scan3A_15, %dma_start3A] : memref<80x128xi32, #tpu.memory_space<vmem>> -> memref<1x128xi32, #tpu.memory_space<vmem>>
        %dma_start3A_17 = tpu.memref_squeeze %dma_start3A_16 : memref<1x128xi32, #tpu.memory_space<vmem>> -> memref<128xi32, #tpu.memory_space<vmem>>
        %dma_start3A_18 = arith.constant 0 : i32
        %dma_start3A_19 = arith.constant 0 : i32
        %dma_start3A_20 = tpu.memref_slice %arg8[%dma_start3A_18, %dma_start3A_19] : memref<10240x128xf32, #tpu.memory_space<vmem_shared>> -> memref<10240x128xf32, #tpu.memory_space<vmem_shared>>
        tpu.enqueue_indirect_dma source(%arg7 : memref<128x128xf32, #tpu.memory_space<vmem>>) target(%dma_start3A_20 : memref<10240x128xf32, #tpu.memory_space<vmem_shared>>) offsets(%dma_start3A_17 : memref<128xi32, #tpu.memory_space<vmem>>) semaphore(%run_scoped3A : memref<!tpu.dma_semaphore, #tpu.memory_space<semaphore_mem>>) {add = true}
        %dma_wait3A = arith.constant 0 : i32
        %dma_wait3A_21 = tpu.memref_slice %arg6[%scan3A_15, %dma_wait3A] : memref<80x128xi32, #tpu.memory_space<vmem>> -> memref<1x128xi32, #tpu.memory_space<vmem>>
        %dma_wait3A_22 = tpu.memref_squeeze %dma_wait3A_21 : memref<1x128xi32, #tpu.memory_space<vmem>> -> memref<128xi32, #tpu.memory_space<vmem>>
        %dma_wait3A_23 = arith.constant 0 : i32
        %dma_wait3A_24 = arith.constant 0 : i32
        %dma_wait3A_25 = tpu.memref_slice %arg8[%dma_wait3A_23, %dma_wait3A_24] : memref<10240x128xf32, #tpu.memory_space<vmem_shared>> -> memref<10240x128xf32, #tpu.memory_space<vmem_shared>>
        tpu.wait_indirect_dma semaphore(%run_scoped3A : memref<!tpu.dma_semaphore, #tpu.memory_space<semaphore_mem>>) src(%arg7 : memref<128x128xf32, #tpu.memory_space<vmem>>) dst(%dma_wait3A_25 : memref<10240x128xf32, #tpu.memory_space<vmem_shared>>)
        tpu.yield
      }) : () -> ()
    }
    %scan3A_9 = arith.constant 80 : i32
    %barrier3A_10 = arith.constant 0 : index
    tpu.barrier barrier_id(%barrier3A_10)
    %mul3A_11 = arith.constant 640 : i32
    %mul3A_12 = arith.muli %arg1, %mul3A_11 : i32
    %mul3A_13 = arith.constant 640 : i32
    %mul3A_14 = arith.muli %arg1, %mul3A_13 : i32
    "tpu.region"() ({
      %run_scoped3A = tpu.sem_alloc : memref<!tpu.dma_semaphore, #tpu.memory_space<semaphore_mem>>
      %dma_start3A = arith.constant 0 : i32
      %dma_start3A_15 = tpu.memref_slice %arg5[%arg0, %mul3A_14, %dma_start3A] : memref<2x10240x128xf32, #tpu.memory_space<hbm>> -> memref<1x640x128xf32, #tpu.memory_space<hbm>>
      %dma_start3A_16 = tpu.memref_squeeze %dma_start3A_15 : memref<1x640x128xf32, #tpu.memory_space<hbm>> -> memref<640x128xf32, #tpu.memory_space<hbm>>
      %dma_start3A_17 = arith.constant 0 : i32
      %dma_start3A_18 = tpu.memref_slice %arg8[%mul3A_12, %dma_start3A_17] : memref<10240x128xf32, #tpu.memory_space<vmem_shared>> -> memref<640x128xf32, #tpu.memory_space<vmem_shared>>
      tpu.enqueue_dma source(%dma_start3A_18 : memref<640x128xf32, #tpu.memory_space<vmem_shared>>) target(%dma_start3A_16 : memref<640x128xf32, #tpu.memory_space<hbm>>) target_semaphore(%run_scoped3A : memref<!tpu.dma_semaphore, #tpu.memory_space<semaphore_mem>>)
      %dma_wait3A = arith.constant 0 : i32
      %dma_wait3A_19 = tpu.memref_slice %arg5[%arg0, %mul3A_14, %dma_wait3A] : memref<2x10240x128xf32, #tpu.memory_space<hbm>> -> memref<1x640x128xf32, #tpu.memory_space<hbm>>
      %dma_wait3A_20 = tpu.memref_squeeze %dma_wait3A_19 : memref<1x640x128xf32, #tpu.memory_space<hbm>> -> memref<640x128xf32, #tpu.memory_space<hbm>>
      %dma_wait3A_21 = arith.constant 0 : i32
      %dma_wait3A_22 = tpu.memref_slice %arg8[%mul3A_12, %dma_wait3A_21] : memref<10240x128xf32, #tpu.memory_space<vmem_shared>> -> memref<640x128xf32, #tpu.memory_space<vmem_shared>>
      tpu.wait_dma2 semaphore(%run_scoped3A : memref<!tpu.dma_semaphore, #tpu.memory_space<semaphore_mem>>) src(%dma_wait3A_22 : memref<640x128xf32, #tpu.memory_space<vmem_shared>>) dst(%dma_wait3A_20 : memref<640x128xf32, #tpu.memory_space<hbm>>)
      tpu.yield
    }) : () -> ()
    return
  }
}

#map = affine_map<(d0, d1) -> (0, 0)>
#map1 = affine_map<(d0, d1) -> (0, 0, 0)>
module attributes {stable_mosaic.version = 14 : i64} {
  func.func @sc_scatter(%arg0: i32, %arg1: i32, %arg2: memref<10240x128xf32, #tpu.memory_space<hbm>>, %arg3: memref<32x80x128xi32, #tpu.memory_space<hbm>>, %arg4: memref<32x80x128xi32, #tpu.memory_space<hbm>>, %arg5: memref<10240x128xf32, #tpu.memory_space<hbm>>, %arg6: memref<2x10240x128xf32, #tpu.memory_space<hbm>>, %arg7: memref<80x128xi32, #tpu.memory_space<vmem>>, %arg8: memref<80x128xi32, #tpu.memory_space<vmem>>, %arg9: memref<128x128xf32, #tpu.memory_space<vmem>>, %arg10: memref<10240x128xf32, #tpu.memory_space<vmem_shared>>, %arg11: memref<!tpu.dma_semaphore, #tpu.memory_space<semaphore_mem>>) attributes {dimension_semantics = [#tpu.dimension_semantics<core_parallel>, #tpu.dimension_semantics<subcore_parallel>], iteration_bounds = array<i64: 2, 16>, scalar_prefetch = 0 : i64, scratch_operands = 5 : i64, tpu.core_type = #tpu.core_type<sc_vector_subcore>, window_params = [{transform_indices = #map}, {transform_indices = #map1}, {transform_indices = #map1}, {transform_indices = #map}, {transform_indices = #map1}]} {
    %mul3A = arith.constant 2 : i32
    %mul3A_0 = arith.muli %arg1, %mul3A : i32
    %add3A = arith.addi %mul3A_0, %arg0 : i32
    %mul3A_1 = arith.constant 640 : i32
    %mul3A_2 = arith.muli %arg1, %mul3A_1 : i32
    %mul3A_3 = arith.constant 640 : i32
    %mul3A_4 = arith.muli %arg1, %mul3A_3 : i32
    "tpu.region"() ({
      %run_scoped3A = tpu.sem_alloc : memref<!tpu.dma_semaphore, #tpu.memory_space<semaphore_mem>>
      %dma_start3A = arith.constant 0 : i32
      %dma_start3A_15 = tpu.memref_slice %arg10[%mul3A_4, %dma_start3A] : memref<10240x128xf32, #tpu.memory_space<vmem_shared>> -> memref<640x128xf32, #tpu.memory_space<vmem_shared>>
      %dma_start3A_16 = arith.constant 0 : i32
      %dma_start3A_17 = tpu.memref_slice %arg5[%mul3A_2, %dma_start3A_16] : memref<10240x128xf32, #tpu.memory_space<hbm>> -> memref<640x128xf32, #tpu.memory_space<hbm>>
      tpu.enqueue_dma source(%dma_start3A_17 : memref<640x128xf32, #tpu.memory_space<hbm>>) target(%dma_start3A_15 : memref<640x128xf32, #tpu.memory_space<vmem_shared>>) target_semaphore(%run_scoped3A : memref<!tpu.dma_semaphore, #tpu.memory_space<semaphore_mem>>)
      %dma_wait3A = arith.constant 0 : i32
      %dma_wait3A_18 = tpu.memref_slice %arg10[%mul3A_4, %dma_wait3A] : memref<10240x128xf32, #tpu.memory_space<vmem_shared>> -> memref<640x128xf32, #tpu.memory_space<vmem_shared>>
      %dma_wait3A_19 = arith.constant 0 : i32
      %dma_wait3A_20 = tpu.memref_slice %arg5[%mul3A_2, %dma_wait3A_19] : memref<10240x128xf32, #tpu.memory_space<hbm>> -> memref<640x128xf32, #tpu.memory_space<hbm>>
      tpu.wait_dma2 semaphore(%run_scoped3A : memref<!tpu.dma_semaphore, #tpu.memory_space<semaphore_mem>>) src(%dma_wait3A_20 : memref<640x128xf32, #tpu.memory_space<hbm>>) dst(%dma_wait3A_18 : memref<640x128xf32, #tpu.memory_space<vmem_shared>>)
      tpu.yield
    }) : () -> ()
    "tpu.region"() ({
      %run_scoped3A = tpu.sem_alloc : memref<!tpu.dma_semaphore, #tpu.memory_space<semaphore_mem>>
      %dma_start3A = arith.constant 0 : i32
      %dma_start3A_15 = arith.constant 0 : i32
      %dma_start3A_16 = tpu.memref_slice %arg3[%add3A, %dma_start3A, %dma_start3A_15] : memref<32x80x128xi32, #tpu.memory_space<hbm>> -> memref<1x80x128xi32, #tpu.memory_space<hbm>>
      %dma_start3A_17 = tpu.memref_squeeze %dma_start3A_16 : memref<1x80x128xi32, #tpu.memory_space<hbm>> -> memref<80x128xi32, #tpu.memory_space<hbm>>
      %dma_start3A_18 = arith.constant 0 : i32
      %dma_start3A_19 = arith.constant 0 : i32
      %dma_start3A_20 = tpu.memref_slice %arg3[%add3A, %dma_start3A_18, %dma_start3A_19] : memref<32x80x128xi32, #tpu.memory_space<hbm>> -> memref<1x80x128xi32, #tpu.memory_space<hbm>>
      %dma_start3A_21 = tpu.memref_squeeze %dma_start3A_20 : memref<1x80x128xi32, #tpu.memory_space<hbm>> -> memref<80x128xi32, #tpu.memory_space<hbm>>
      tpu.enqueue_dma source(%dma_start3A_21 : memref<80x128xi32, #tpu.memory_space<hbm>>) target(%arg7 : memref<80x128xi32, #tpu.memory_space<vmem>>) target_semaphore(%run_scoped3A : memref<!tpu.dma_semaphore, #tpu.memory_space<semaphore_mem>>)
      %dma_wait3A = arith.constant 0 : i32
      %dma_wait3A_22 = arith.constant 0 : i32
      %dma_wait3A_23 = tpu.memref_slice %arg3[%add3A, %dma_wait3A, %dma_wait3A_22] : memref<32x80x128xi32, #tpu.memory_space<hbm>> -> memref<1x80x128xi32, #tpu.memory_space<hbm>>
      %dma_wait3A_24 = tpu.memref_squeeze %dma_wait3A_23 : memref<1x80x128xi32, #tpu.memory_space<hbm>> -> memref<80x128xi32, #tpu.memory_space<hbm>>
      %dma_wait3A_25 = arith.constant 0 : i32
      %dma_wait3A_26 = arith.constant 0 : i32
      %dma_wait3A_27 = tpu.memref_slice %arg3[%add3A, %dma_wait3A_25, %dma_wait3A_26] : memref<32x80x128xi32, #tpu.memory_space<hbm>> -> memref<1x80x128xi32, #tpu.memory_space<hbm>>
      %dma_wait3A_28 = tpu.memref_squeeze %dma_wait3A_27 : memref<1x80x128xi32, #tpu.memory_space<hbm>> -> memref<80x128xi32, #tpu.memory_space<hbm>>
      tpu.wait_dma2 semaphore(%run_scoped3A : memref<!tpu.dma_semaphore, #tpu.memory_space<semaphore_mem>>) src(%dma_wait3A_28 : memref<80x128xi32, #tpu.memory_space<hbm>>) dst(%arg7 : memref<80x128xi32, #tpu.memory_space<vmem>>)
      tpu.yield
    }) : () -> ()
    "tpu.region"() ({
      %run_scoped3A = tpu.sem_alloc : memref<!tpu.dma_semaphore, #tpu.memory_space<semaphore_mem>>
      %dma_start3A = arith.constant 0 : i32
      %dma_start3A_15 = arith.constant 0 : i32
      %dma_start3A_16 = tpu.memref_slice %arg4[%add3A, %dma_start3A, %dma_start3A_15] : memref<32x80x128xi32, #tpu.memory_space<hbm>> -> memref<1x80x128xi32, #tpu.memory_space<hbm>>
      %dma_start3A_17 = tpu.memref_squeeze %dma_start3A_16 : memref<1x80x128xi32, #tpu.memory_space<hbm>> -> memref<80x128xi32, #tpu.memory_space<hbm>>
      %dma_start3A_18 = arith.constant 0 : i32
      %dma_start3A_19 = arith.constant 0 : i32
      %dma_start3A_20 = tpu.memref_slice %arg4[%add3A, %dma_start3A_18, %dma_start3A_19] : memref<32x80x128xi32, #tpu.memory_space<hbm>> -> memref<1x80x128xi32, #tpu.memory_space<hbm>>
      %dma_start3A_21 = tpu.memref_squeeze %dma_start3A_20 : memref<1x80x128xi32, #tpu.memory_space<hbm>> -> memref<80x128xi32, #tpu.memory_space<hbm>>
      tpu.enqueue_dma source(%dma_start3A_21 : memref<80x128xi32, #tpu.memory_space<hbm>>) target(%arg8 : memref<80x128xi32, #tpu.memory_space<vmem>>) target_semaphore(%run_scoped3A : memref<!tpu.dma_semaphore, #tpu.memory_space<semaphore_mem>>)
      %dma_wait3A = arith.constant 0 : i32
      %dma_wait3A_22 = arith.constant 0 : i32
      %dma_wait3A_23 = tpu.memref_slice %arg4[%add3A, %dma_wait3A, %dma_wait3A_22] : memref<32x80x128xi32, #tpu.memory_space<hbm>> -> memref<1x80x128xi32, #tpu.memory_space<hbm>>
      %dma_wait3A_24 = tpu.memref_squeeze %dma_wait3A_23 : memref<1x80x128xi32, #tpu.memory_space<hbm>> -> memref<80x128xi32, #tpu.memory_space<hbm>>
      %dma_wait3A_25 = arith.constant 0 : i32
      %dma_wait3A_26 = arith.constant 0 : i32
      %dma_wait3A_27 = tpu.memref_slice %arg4[%add3A, %dma_wait3A_25, %dma_wait3A_26] : memref<32x80x128xi32, #tpu.memory_space<hbm>> -> memref<1x80x128xi32, #tpu.memory_space<hbm>>
      %dma_wait3A_28 = tpu.memref_squeeze %dma_wait3A_27 : memref<1x80x128xi32, #tpu.memory_space<hbm>> -> memref<80x128xi32, #tpu.memory_space<hbm>>
      tpu.wait_dma2 semaphore(%run_scoped3A : memref<!tpu.dma_semaphore, #tpu.memory_space<semaphore_mem>>) src(%dma_wait3A_28 : memref<80x128xi32, #tpu.memory_space<hbm>>) dst(%arg8 : memref<80x128xi32, #tpu.memory_space<vmem>>)
      tpu.yield
    }) : () -> ()
    %barrier3A = arith.constant 0 : index
    tpu.barrier barrier_id(%barrier3A)
    %scan3A = arith.constant 0 : i32
    %scan3A_5 = arith.constant 0 : i32
    %scan3A_6 = arith.constant 80 : i32
    %scan3A_7 = arith.addi %scan3A_5, %scan3A_6 : i32
    %scan3A_8 = arith.constant 1 : i32
    scf.for %scan3A_15 = %scan3A_5 to %scan3A_7 step %scan3A_8  : i32 {
      %dma_start3A = arith.constant 0 : i32
      %dma_start3A_16 = tpu.memref_slice %arg7[%scan3A_15, %dma_start3A] : memref<80x128xi32, #tpu.memory_space<vmem>> -> memref<1x128xi32, #tpu.memory_space<vmem>>
      %dma_start3A_17 = tpu.memref_squeeze %dma_start3A_16 : memref<1x128xi32, #tpu.memory_space<vmem>> -> memref<128xi32, #tpu.memory_space<vmem>>
      %dma_start3A_18 = arith.constant 0 : i32
      %dma_start3A_19 = arith.constant 0 : i32
      %dma_start3A_20 = tpu.memref_slice %arg2[%dma_start3A_18, %dma_start3A_19] : memref<10240x128xf32, #tpu.memory_space<hbm>> -> memref<10240x128xf32, #tpu.memory_space<hbm>>
      tpu.enqueue_indirect_dma source(%dma_start3A_20 : memref<10240x128xf32, #tpu.memory_space<hbm>>) target(%arg9 : memref<128x128xf32, #tpu.memory_space<vmem>>) offsets(%dma_start3A_17 : memref<128xi32, #tpu.memory_space<vmem>>) semaphore(%arg11 : memref<!tpu.dma_semaphore, #tpu.memory_space<semaphore_mem>>)
      %dma_wait3A = arith.constant 0 : i32
      %dma_wait3A_21 = tpu.memref_slice %arg7[%scan3A_15, %dma_wait3A] : memref<80x128xi32, #tpu.memory_space<vmem>> -> memref<1x128xi32, #tpu.memory_space<vmem>>
      %dma_wait3A_22 = tpu.memref_squeeze %dma_wait3A_21 : memref<1x128xi32, #tpu.memory_space<vmem>> -> memref<128xi32, #tpu.memory_space<vmem>>
      %dma_wait3A_23 = arith.constant 0 : i32
      %dma_wait3A_24 = arith.constant 0 : i32
      %dma_wait3A_25 = tpu.memref_slice %arg2[%dma_wait3A_23, %dma_wait3A_24] : memref<10240x128xf32, #tpu.memory_space<hbm>> -> memref<10240x128xf32, #tpu.memory_space<hbm>>
      tpu.wait_indirect_dma semaphore(%arg11 : memref<!tpu.dma_semaphore, #tpu.memory_space<semaphore_mem>>) src(%dma_wait3A_25 : memref<10240x128xf32, #tpu.memory_space<hbm>>) dst(%arg9 : memref<128x128xf32, #tpu.memory_space<vmem>>)
      "tpu.region"() ({
        %run_scoped3A = tpu.sem_alloc : memref<!tpu.dma_semaphore, #tpu.memory_space<semaphore_mem>>
        %dma_start3A_26 = arith.constant 0 : i32
        %dma_start3A_27 = tpu.memref_slice %arg8[%scan3A_15, %dma_start3A_26] : memref<80x128xi32, #tpu.memory_space<vmem>> -> memref<1x128xi32, #tpu.memory_space<vmem>>
        %dma_start3A_28 = tpu.memref_squeeze %dma_start3A_27 : memref<1x128xi32, #tpu.memory_space<vmem>> -> memref<128xi32, #tpu.memory_space<vmem>>
        %dma_start3A_29 = arith.constant 0 : i32
        %dma_start3A_30 = arith.constant 0 : i32
        %dma_start3A_31 = tpu.memref_slice %arg10[%dma_start3A_29, %dma_start3A_30] : memref<10240x128xf32, #tpu.memory_space<vmem_shared>> -> memref<10240x128xf32, #tpu.memory_space<vmem_shared>>
        tpu.enqueue_indirect_dma source(%arg9 : memref<128x128xf32, #tpu.memory_space<vmem>>) target(%dma_start3A_31 : memref<10240x128xf32, #tpu.memory_space<vmem_shared>>) offsets(%dma_start3A_28 : memref<128xi32, #tpu.memory_space<vmem>>) semaphore(%run_scoped3A : memref<!tpu.dma_semaphore, #tpu.memory_space<semaphore_mem>>) {add = true}
        %dma_wait3A_32 = arith.constant 0 : i32
        %dma_wait3A_33 = tpu.memref_slice %arg8[%scan3A_15, %dma_wait3A_32] : memref<80x128xi32, #tpu.memory_space<vmem>> -> memref<1x128xi32, #tpu.memory_space<vmem>>
        %dma_wait3A_34 = tpu.memref_squeeze %dma_wait3A_33 : memref<1x128xi32, #tpu.memory_space<vmem>> -> memref<128xi32, #tpu.memory_space<vmem>>
        %dma_wait3A_35 = arith.constant 0 : i32
        %dma_wait3A_36 = arith.constant 0 : i32
        %dma_wait3A_37 = tpu.memref_slice %arg10[%dma_wait3A_35, %dma_wait3A_36] : memref<10240x128xf32, #tpu.memory_space<vmem_shared>> -> memref<10240x128xf32, #tpu.memory_space<vmem_shared>>
        tpu.wait_indirect_dma semaphore(%run_scoped3A : memref<!tpu.dma_semaphore, #tpu.memory_space<semaphore_mem>>) src(%arg9 : memref<128x128xf32, #tpu.memory_space<vmem>>) dst(%dma_wait3A_37 : memref<10240x128xf32, #tpu.memory_space<vmem_shared>>)
        tpu.yield
      }) : () -> ()
    }
    %scan3A_9 = arith.constant 80 : i32
    %barrier3A_10 = arith.constant 0 : index
    tpu.barrier barrier_id(%barrier3A_10)
    %mul3A_11 = arith.constant 640 : i32
    %mul3A_12 = arith.muli %arg1, %mul3A_11 : i32
    %mul3A_13 = arith.constant 640 : i32
    %mul3A_14 = arith.muli %arg1, %mul3A_13 : i32
    "tpu.region"() ({
      %run_scoped3A = tpu.sem_alloc : memref<!tpu.dma_semaphore, #tpu.memory_space<semaphore_mem>>
      %dma_start3A = arith.constant 0 : i32
      %dma_start3A_15 = tpu.memref_slice %arg6[%arg0, %mul3A_14, %dma_start3A] : memref<2x10240x128xf32, #tpu.memory_space<hbm>> -> memref<1x640x128xf32, #tpu.memory_space<hbm>>
      %dma_start3A_16 = tpu.memref_squeeze %dma_start3A_15 : memref<1x640x128xf32, #tpu.memory_space<hbm>> -> memref<640x128xf32, #tpu.memory_space<hbm>>
      %dma_start3A_17 = arith.constant 0 : i32
      %dma_start3A_18 = tpu.memref_slice %arg10[%mul3A_12, %dma_start3A_17] : memref<10240x128xf32, #tpu.memory_space<vmem_shared>> -> memref<640x128xf32, #tpu.memory_space<vmem_shared>>
      tpu.enqueue_dma source(%dma_start3A_18 : memref<640x128xf32, #tpu.memory_space<vmem_shared>>) target(%dma_start3A_16 : memref<640x128xf32, #tpu.memory_space<hbm>>) target_semaphore(%run_scoped3A : memref<!tpu.dma_semaphore, #tpu.memory_space<semaphore_mem>>)
      %dma_wait3A = arith.constant 0 : i32
      %dma_wait3A_19 = tpu.memref_slice %arg6[%arg0, %mul3A_14, %dma_wait3A] : memref<2x10240x128xf32, #tpu.memory_space<hbm>> -> memref<1x640x128xf32, #tpu.memory_space<hbm>>
      %dma_wait3A_20 = tpu.memref_squeeze %dma_wait3A_19 : memref<1x640x128xf32, #tpu.memory_space<hbm>> -> memref<640x128xf32, #tpu.memory_space<hbm>>
      %dma_wait3A_21 = arith.constant 0 : i32
      %dma_wait3A_22 = tpu.memref_slice %arg10[%mul3A_12, %dma_wait3A_21] : memref<10240x128xf32, #tpu.memory_space<vmem_shared>> -> memref<640x128xf32, #tpu.memory_space<vmem_shared>>
      tpu.wait_dma2 semaphore(%run_scoped3A : memref<!tpu.dma_semaphore, #tpu.memory_space<semaphore_mem>>) src(%dma_wait3A_22 : memref<640x128xf32, #tpu.memory_space<vmem_shared>>) dst(%dma_wait3A_20 : memref<640x128xf32, #tpu.memory_space<hbm>>)
      tpu.yield
    }) : () -> ()
    return
  }
}

#map = affine_map<(d0, d1) -> (0, 0)>
#map1 = affine_map<(d0, d1) -> (0, 0, 0)>
module attributes {stable_mosaic.version = 14 : i64} {
  func.func @sc_scatter(%arg0: i32, %arg1: i32, %arg2: memref<10240x128xf32, #tpu.memory_space<hbm>>, %arg3: memref<32x80x128xi32, #tpu.memory_space<hbm>>, %arg4: memref<32x80x128xi32, #tpu.memory_space<hbm>>, %arg5: memref<10240x128xf32, #tpu.memory_space<hbm>>, %arg6: memref<2x10240x128xf32, #tpu.memory_space<hbm>>, %arg7: memref<80x128xi32, #tpu.memory_space<vmem>>, %arg8: memref<80x128xi32, #tpu.memory_space<vmem>>, %arg9: memref<128x128xf32, #tpu.memory_space<vmem>>, %arg10: memref<10240x128xf32, #tpu.memory_space<vmem_shared>>, %arg11: memref<!tpu.dma_semaphore, #tpu.memory_space<semaphore_mem>>) attributes {dimension_semantics = [#tpu.dimension_semantics<core_parallel>, #tpu.dimension_semantics<subcore_parallel>], iteration_bounds = array<i64: 2, 16>, scalar_prefetch = 0 : i64, scratch_operands = 5 : i64, tpu.core_type = #tpu.core_type<sc_vector_subcore>, window_params = [{transform_indices = #map}, {transform_indices = #map1}, {transform_indices = #map1}, {transform_indices = #map}, {transform_indices = #map1}]} {
    %mul3A = arith.constant 2 : i32
    %mul3A_0 = arith.muli %arg1, %mul3A : i32
    %add3A = arith.addi %mul3A_0, %arg0 : i32
    %mul3A_1 = arith.constant 640 : i32
    %mul3A_2 = arith.muli %arg1, %mul3A_1 : i32
    %mul3A_3 = arith.constant 640 : i32
    %mul3A_4 = arith.muli %arg1, %mul3A_3 : i32
    "tpu.region"() ({
      %run_scoped3A = tpu.sem_alloc : memref<!tpu.dma_semaphore, #tpu.memory_space<semaphore_mem>>
      %dma_start3A = arith.constant 0 : i32
      %dma_start3A_15 = tpu.memref_slice %arg10[%mul3A_4, %dma_start3A] : memref<10240x128xf32, #tpu.memory_space<vmem_shared>> -> memref<640x128xf32, #tpu.memory_space<vmem_shared>>
      %dma_start3A_16 = arith.constant 0 : i32
      %dma_start3A_17 = tpu.memref_slice %arg5[%mul3A_2, %dma_start3A_16] : memref<10240x128xf32, #tpu.memory_space<hbm>> -> memref<640x128xf32, #tpu.memory_space<hbm>>
      tpu.enqueue_dma source(%dma_start3A_17 : memref<640x128xf32, #tpu.memory_space<hbm>>) target(%dma_start3A_15 : memref<640x128xf32, #tpu.memory_space<vmem_shared>>) target_semaphore(%run_scoped3A : memref<!tpu.dma_semaphore, #tpu.memory_space<semaphore_mem>>)
      %dma_wait3A = arith.constant 0 : i32
      %dma_wait3A_18 = tpu.memref_slice %arg10[%mul3A_4, %dma_wait3A] : memref<10240x128xf32, #tpu.memory_space<vmem_shared>> -> memref<640x128xf32, #tpu.memory_space<vmem_shared>>
      %dma_wait3A_19 = arith.constant 0 : i32
      %dma_wait3A_20 = tpu.memref_slice %arg5[%mul3A_2, %dma_wait3A_19] : memref<10240x128xf32, #tpu.memory_space<hbm>> -> memref<640x128xf32, #tpu.memory_space<hbm>>
      tpu.wait_dma2 semaphore(%run_scoped3A : memref<!tpu.dma_semaphore, #tpu.memory_space<semaphore_mem>>) src(%dma_wait3A_20 : memref<640x128xf32, #tpu.memory_space<hbm>>) dst(%dma_wait3A_18 : memref<640x128xf32, #tpu.memory_space<vmem_shared>>)
      tpu.yield
    }) : () -> ()
    "tpu.region"() ({
      %run_scoped3A = tpu.sem_alloc : memref<!tpu.dma_semaphore, #tpu.memory_space<semaphore_mem>>
      %dma_start3A = arith.constant 0 : i32
      %dma_start3A_15 = arith.constant 0 : i32
      %dma_start3A_16 = tpu.memref_slice %arg3[%add3A, %dma_start3A, %dma_start3A_15] : memref<32x80x128xi32, #tpu.memory_space<hbm>> -> memref<1x80x128xi32, #tpu.memory_space<hbm>>
      %dma_start3A_17 = tpu.memref_squeeze %dma_start3A_16 : memref<1x80x128xi32, #tpu.memory_space<hbm>> -> memref<80x128xi32, #tpu.memory_space<hbm>>
      %dma_start3A_18 = arith.constant 0 : i32
      %dma_start3A_19 = arith.constant 0 : i32
      %dma_start3A_20 = tpu.memref_slice %arg3[%add3A, %dma_start3A_18, %dma_start3A_19] : memref<32x80x128xi32, #tpu.memory_space<hbm>> -> memref<1x80x128xi32, #tpu.memory_space<hbm>>
      %dma_start3A_21 = tpu.memref_squeeze %dma_start3A_20 : memref<1x80x128xi32, #tpu.memory_space<hbm>> -> memref<80x128xi32, #tpu.memory_space<hbm>>
      tpu.enqueue_dma source(%dma_start3A_21 : memref<80x128xi32, #tpu.memory_space<hbm>>) target(%arg7 : memref<80x128xi32, #tpu.memory_space<vmem>>) target_semaphore(%run_scoped3A : memref<!tpu.dma_semaphore, #tpu.memory_space<semaphore_mem>>)
      %dma_wait3A = arith.constant 0 : i32
      %dma_wait3A_22 = arith.constant 0 : i32
      %dma_wait3A_23 = tpu.memref_slice %arg3[%add3A, %dma_wait3A, %dma_wait3A_22] : memref<32x80x128xi32, #tpu.memory_space<hbm>> -> memref<1x80x128xi32, #tpu.memory_space<hbm>>
      %dma_wait3A_24 = tpu.memref_squeeze %dma_wait3A_23 : memref<1x80x128xi32, #tpu.memory_space<hbm>> -> memref<80x128xi32, #tpu.memory_space<hbm>>
      %dma_wait3A_25 = arith.constant 0 : i32
      %dma_wait3A_26 = arith.constant 0 : i32
      %dma_wait3A_27 = tpu.memref_slice %arg3[%add3A, %dma_wait3A_25, %dma_wait3A_26] : memref<32x80x128xi32, #tpu.memory_space<hbm>> -> memref<1x80x128xi32, #tpu.memory_space<hbm>>
      %dma_wait3A_28 = tpu.memref_squeeze %dma_wait3A_27 : memref<1x80x128xi32, #tpu.memory_space<hbm>> -> memref<80x128xi32, #tpu.memory_space<hbm>>
      tpu.wait_dma2 semaphore(%run_scoped3A : memref<!tpu.dma_semaphore, #tpu.memory_space<semaphore_mem>>) src(%dma_wait3A_28 : memref<80x128xi32, #tpu.memory_space<hbm>>) dst(%arg7 : memref<80x128xi32, #tpu.memory_space<vmem>>)
      tpu.yield
    }) : () -> ()
    "tpu.region"() ({
      %run_scoped3A = tpu.sem_alloc : memref<!tpu.dma_semaphore, #tpu.memory_space<semaphore_mem>>
      %dma_start3A = arith.constant 0 : i32
      %dma_start3A_15 = arith.constant 0 : i32
      %dma_start3A_16 = tpu.memref_slice %arg4[%add3A, %dma_start3A, %dma_start3A_15] : memref<32x80x128xi32, #tpu.memory_space<hbm>> -> memref<1x80x128xi32, #tpu.memory_space<hbm>>
      %dma_start3A_17 = tpu.memref_squeeze %dma_start3A_16 : memref<1x80x128xi32, #tpu.memory_space<hbm>> -> memref<80x128xi32, #tpu.memory_space<hbm>>
      %dma_start3A_18 = arith.constant 0 : i32
      %dma_start3A_19 = arith.constant 0 : i32
      %dma_start3A_20 = tpu.memref_slice %arg4[%add3A, %dma_start3A_18, %dma_start3A_19] : memref<32x80x128xi32, #tpu.memory_space<hbm>> -> memref<1x80x128xi32, #tpu.memory_space<hbm>>
      %dma_start3A_21 = tpu.memref_squeeze %dma_start3A_20 : memref<1x80x128xi32, #tpu.memory_space<hbm>> -> memref<80x128xi32, #tpu.memory_space<hbm>>
      tpu.enqueue_dma source(%dma_start3A_21 : memref<80x128xi32, #tpu.memory_space<hbm>>) target(%arg8 : memref<80x128xi32, #tpu.memory_space<vmem>>) target_semaphore(%run_scoped3A : memref<!tpu.dma_semaphore, #tpu.memory_space<semaphore_mem>>)
      %dma_wait3A = arith.constant 0 : i32
      %dma_wait3A_22 = arith.constant 0 : i32
      %dma_wait3A_23 = tpu.memref_slice %arg4[%add3A, %dma_wait3A, %dma_wait3A_22] : memref<32x80x128xi32, #tpu.memory_space<hbm>> -> memref<1x80x128xi32, #tpu.memory_space<hbm>>
      %dma_wait3A_24 = tpu.memref_squeeze %dma_wait3A_23 : memref<1x80x128xi32, #tpu.memory_space<hbm>> -> memref<80x128xi32, #tpu.memory_space<hbm>>
      %dma_wait3A_25 = arith.constant 0 : i32
      %dma_wait3A_26 = arith.constant 0 : i32
      %dma_wait3A_27 = tpu.memref_slice %arg4[%add3A, %dma_wait3A_25, %dma_wait3A_26] : memref<32x80x128xi32, #tpu.memory_space<hbm>> -> memref<1x80x128xi32, #tpu.memory_space<hbm>>
      %dma_wait3A_28 = tpu.memref_squeeze %dma_wait3A_27 : memref<1x80x128xi32, #tpu.memory_space<hbm>> -> memref<80x128xi32, #tpu.memory_space<hbm>>
      tpu.wait_dma2 semaphore(%run_scoped3A : memref<!tpu.dma_semaphore, #tpu.memory_space<semaphore_mem>>) src(%dma_wait3A_28 : memref<80x128xi32, #tpu.memory_space<hbm>>) dst(%arg8 : memref<80x128xi32, #tpu.memory_space<vmem>>)
      tpu.yield
    }) : () -> ()
    %barrier3A = arith.constant 0 : index
    tpu.barrier barrier_id(%barrier3A)
    %scan3A = arith.constant 0 : i32
    %scan3A_5 = arith.constant 0 : i32
    %scan3A_6 = arith.constant 80 : i32
    %scan3A_7 = arith.addi %scan3A_5, %scan3A_6 : i32
    %scan3A_8 = arith.constant 1 : i32
    scf.for %scan3A_15 = %scan3A_5 to %scan3A_7 step %scan3A_8  : i32 {
      %dma_start3A = arith.constant 0 : i32
      %dma_start3A_16 = tpu.memref_slice %arg7[%scan3A_15, %dma_start3A] : memref<80x128xi32, #tpu.memory_space<vmem>> -> memref<1x128xi32, #tpu.memory_space<vmem>>
      %dma_start3A_17 = tpu.memref_squeeze %dma_start3A_16 : memref<1x128xi32, #tpu.memory_space<vmem>> -> memref<128xi32, #tpu.memory_space<vmem>>
      %dma_start3A_18 = arith.constant 0 : i32
      %dma_start3A_19 = arith.constant 0 : i32
      %dma_start3A_20 = tpu.memref_slice %arg2[%dma_start3A_18, %dma_start3A_19] : memref<10240x128xf32, #tpu.memory_space<hbm>> -> memref<10240x128xf32, #tpu.memory_space<hbm>>
      tpu.enqueue_indirect_dma source(%dma_start3A_20 : memref<10240x128xf32, #tpu.memory_space<hbm>>) target(%arg9 : memref<128x128xf32, #tpu.memory_space<vmem>>) offsets(%dma_start3A_17 : memref<128xi32, #tpu.memory_space<vmem>>) semaphore(%arg11 : memref<!tpu.dma_semaphore, #tpu.memory_space<semaphore_mem>>)
      %dma_wait3A = arith.constant 0 : i32
      %dma_wait3A_21 = tpu.memref_slice %arg7[%scan3A_15, %dma_wait3A] : memref<80x128xi32, #tpu.memory_space<vmem>> -> memref<1x128xi32, #tpu.memory_space<vmem>>
      %dma_wait3A_22 = tpu.memref_squeeze %dma_wait3A_21 : memref<1x128xi32, #tpu.memory_space<vmem>> -> memref<128xi32, #tpu.memory_space<vmem>>
      %dma_wait3A_23 = arith.constant 0 : i32
      %dma_wait3A_24 = arith.constant 0 : i32
      %dma_wait3A_25 = tpu.memref_slice %arg2[%dma_wait3A_23, %dma_wait3A_24] : memref<10240x128xf32, #tpu.memory_space<hbm>> -> memref<10240x128xf32, #tpu.memory_space<hbm>>
      tpu.wait_indirect_dma semaphore(%arg11 : memref<!tpu.dma_semaphore, #tpu.memory_space<semaphore_mem>>) src(%dma_wait3A_25 : memref<10240x128xf32, #tpu.memory_space<hbm>>) dst(%arg9 : memref<128x128xf32, #tpu.memory_space<vmem>>)
      "tpu.region"() ({
        %run_scoped3A = tpu.sem_alloc : memref<!tpu.dma_semaphore, #tpu.memory_space<semaphore_mem>>
        %dma_start3A_26 = arith.constant 0 : i32
        %dma_start3A_27 = tpu.memref_slice %arg8[%scan3A_15, %dma_start3A_26] : memref<80x128xi32, #tpu.memory_space<vmem>> -> memref<1x128xi32, #tpu.memory_space<vmem>>
        %dma_start3A_28 = tpu.memref_squeeze %dma_start3A_27 : memref<1x128xi32, #tpu.memory_space<vmem>> -> memref<128xi32, #tpu.memory_space<vmem>>
        %dma_start3A_29 = arith.constant 0 : i32
        %dma_start3A_30 = arith.constant 0 : i32
        %dma_start3A_31 = tpu.memref_slice %arg10[%dma_start3A_29, %dma_start3A_30] : memref<10240x128xf32, #tpu.memory_space<vmem_shared>> -> memref<10240x128xf32, #tpu.memory_space<vmem_shared>>
        tpu.enqueue_indirect_dma source(%arg9 : memref<128x128xf32, #tpu.memory_space<vmem>>) target(%dma_start3A_31 : memref<10240x128xf32, #tpu.memory_space<vmem_shared>>) offsets(%dma_start3A_28 : memref<128xi32, #tpu.memory_space<vmem>>) semaphore(%run_scoped3A : memref<!tpu.dma_semaphore, #tpu.memory_space<semaphore_mem>>) {add = true}
        %dma_wait3A_32 = arith.constant 0 : i32
        %dma_wait3A_33 = tpu.memref_slice %arg8[%scan3A_15, %dma_wait3A_32] : memref<80x128xi32, #tpu.memory_space<vmem>> -> memref<1x128xi32, #tpu.memory_space<vmem>>
        %dma_wait3A_34 = tpu.memref_squeeze %dma_wait3A_33 : memref<1x128xi32, #tpu.memory_space<vmem>> -> memref<128xi32, #tpu.memory_space<vmem>>
        %dma_wait3A_35 = arith.constant 0 : i32
        %dma_wait3A_36 = arith.constant 0 : i32
        %dma_wait3A_37 = tpu.memref_slice %arg10[%dma_wait3A_35, %dma_wait3A_36] : memref<10240x128xf32, #tpu.memory_space<vmem_shared>> -> memref<10240x128xf32, #tpu.memory_space<vmem_shared>>
        tpu.wait_indirect_dma semaphore(%run_scoped3A : memref<!tpu.dma_semaphore, #tpu.memory_space<semaphore_mem>>) src(%arg9 : memref<128x128xf32, #tpu.memory_space<vmem>>) dst(%dma_wait3A_37 : memref<10240x128xf32, #tpu.memory_space<vmem_shared>>)
        tpu.yield
      }) : () -> ()
    }
    %scan3A_9 = arith.constant 80 : i32
    %barrier3A_10 = arith.constant 0 : index
    tpu.barrier barrier_id(%barrier3A_10)
    %mul3A_11 = arith.constant 640 : i32
    %mul3A_12 = arith.muli %arg1, %mul3A_11 : i32
    %mul3A_13 = arith.constant 640 : i32
    %mul3A_14 = arith.muli %arg1, %mul3A_13 : i32
    "tpu.region"() ({
      %run_scoped3A = tpu.sem_alloc : memref<!tpu.dma_semaphore, #tpu.memory_space<semaphore_mem>>
      %dma_start3A = arith.constant 0 : i32
      %dma_start3A_15 = tpu.memref_slice %arg6[%arg0, %mul3A_14, %dma_start3A] : memref<2x10240x128xf32, #tpu.memory_space<hbm>> -> memref<1x640x128xf32, #tpu.memory_space<hbm>>
      %dma_start3A_16 = tpu.memref_squeeze %dma_start3A_15 : memref<1x640x128xf32, #tpu.memory_space<hbm>> -> memref<640x128xf32, #tpu.memory_space<hbm>>
      %dma_start3A_17 = arith.constant 0 : i32
      %dma_start3A_18 = tpu.memref_slice %arg10[%mul3A_12, %dma_start3A_17] : memref<10240x128xf32, #tpu.memory_space<vmem_shared>> -> memref<640x128xf32, #tpu.memory_space<vmem_shared>>
      tpu.enqueue_dma source(%dma_start3A_18 : memref<640x128xf32, #tpu.memory_space<vmem_shared>>) target(%dma_start3A_16 : memref<640x128xf32, #tpu.memory_space<hbm>>) target_semaphore(%run_scoped3A : memref<!tpu.dma_semaphore, #tpu.memory_space<semaphore_mem>>)
      %dma_wait3A = arith.constant 0 : i32
      %dma_wait3A_19 = tpu.memref_slice %arg6[%arg0, %mul3A_14, %dma_wait3A] : memref<2x10240x128xf32, #tpu.memory_space<hbm>> -> memref<1x640x128xf32, #tpu.memory_space<hbm>>
      %dma_wait3A_20 = tpu.memref_squeeze %dma_wait3A_19 : memref<1x640x128xf32, #tpu.memory_space<hbm>> -> memref<640x128xf32, #tpu.memory_space<hbm>>
      %dma_wait3A_21 = arith.constant 0 : i32
      %dma_wait3A_22 = tpu.memref_slice %arg10[%mul3A_12, %dma_wait3A_21] : memref<10240x128xf32, #tpu.memory_space<vmem_shared>> -> memref<640x128xf32, #tpu.memory_space<vmem_shared>>
      tpu.wait_dma2 semaphore(%run_scoped3A : memref<!tpu.dma_semaphore, #tpu.memory_space<semaphore_mem>>) src(%dma_wait3A_22 : memref<640x128xf32, #tpu.memory_space<vmem_shared>>) dst(%dma_wait3A_20 : memref<640x128xf32, #tpu.memory_space<hbm>>)
      tpu.yield
    }) : () -> ()
    return
  }
}

module attributes {stable_mosaic.version = 14 : i64} {
  func.func @_dinv_scale_body(%arg0: i32, %arg1: memref<2x512x128xf32, #tpu.memory_space<vmem>>, %arg2: memref<512x128xf32, #tpu.memory_space<vmem>>, %arg3: memref<512x1xf32, #tpu.memory_space<vmem>>, %arg4: memref<512x128xf32, #tpu.memory_space<vmem>>) attributes {dimension_semantics = [#tpu.dimension_semantics<arbitrary>], iteration_bounds = array<i64: 20>, scalar_prefetch = 0 : i64, scratch_operands = 0 : i64, tpu.core_type = #tpu.core_type<tc>, window_params = [{transform_indices = @transform_0, window_bounds = array<i64: 2, 512, 128>}, {transform_indices = @transform_1, window_bounds = array<i64: 512, 128>}, {transform_indices = @transform_2, window_bounds = array<i64: 512, 1>}, {transform_indices = @transform_3, window_bounds = array<i64: 512, 128>}]} {
    %get3A = arith.constant 0 : index
    %get3A_0 = arith.constant 0 : index
    %get3A_1 = arith.constant 0 : index
    %get3A_2 = vector.load %arg1[%get3A, %get3A_0, %get3A_1] : memref<2x512x128xf32, #tpu.memory_space<vmem>>, vector<2x512x128xf32>
    %reduce_sum3A = arith.constant dense<0.000000e+00> : vector<512xf32>
    %reduce_sum3A_3 = vector.multi_reduction <add>, %get3A_2, %reduce_sum3A [0, 2] : vector<2x512x128xf32> to vector<512xf32>
    %mul3A = arith.constant 7.812500e-03 : f32
    %mul3A_4 = vector.broadcast %mul3A : f32 to vector<512xf32>
    %mul3A_5 = arith.mulf %reduce_sum3A_3, %mul3A_4 : vector<512xf32>
    %add3A = arith.constant 1.000000e+00 : f32
    %add3A_6 = vector.broadcast %add3A : f32 to vector<512xf32>
    %add3A_7 = arith.addf %add3A_6, %mul3A_5 : vector<512xf32>
    %rsqrt3A = math.rsqrt %add3A_7 : vector<512xf32>
    %broadcast_in_dim3A = vector.shape_cast %rsqrt3A : vector<512xf32> to vector<512x1xf32>
    %swap3A = arith.constant 0 : index
    %swap3A_8 = arith.constant 0 : index
    %swap3A_9 = vector.load %arg3[%swap3A, %swap3A_8] : memref<512x1xf32, #tpu.memory_space<vmem>>, vector<512x1xf32>
    tpu.vector_store %arg3[%swap3A, %swap3A_8], %broadcast_in_dim3A {strides = array<i32>} : memref<512x1xf32, #tpu.memory_space<vmem>>, vector<512x1xf32>,
    %get3A_10 = arith.constant 0 : index
    %get3A_11 = arith.constant 0 : index
    %get3A_12 = vector.load %arg2[%get3A_10, %get3A_11] : memref<512x128xf32, #tpu.memory_space<vmem>>, vector<512x128xf32>
    %mul3A_13 = vector.broadcast %broadcast_in_dim3A : vector<512x1xf32> to vector<512x128xf32>
    %mul3A_14 = arith.mulf %get3A_12, %mul3A_13 : vector<512x128xf32>
    %swap3A_15 = arith.constant 0 : index
    %swap3A_16 = arith.constant 0 : index
    %swap3A_17 = vector.load %arg4[%swap3A_15, %swap3A_16] : memref<512x128xf32, #tpu.memory_space<vmem>>, vector<512x128xf32>
    tpu.vector_store %arg4[%swap3A_15, %swap3A_16], %mul3A_14 {strides = array<i32>} : memref<512x128xf32, #tpu.memory_space<vmem>>, vector<512x128xf32>,
    return
  }
  func.func @transform_0(%arg0: i32) -> (i32, i32, i32) {
    %c0_i32 = arith.constant 0 : i32
    %c0_i32_0 = arith.constant 0 : i32
    %c0_i32_1 = arith.constant 0 : i32
    return %c0_i32, %arg0, %c0_i32_0 : i32, i32, i32
  }
  func.func @transform_1(%arg0: i32) -> (i32, i32) {
    %c0_i32 = arith.constant 0 : i32
    %c0_i32_0 = arith.constant 0 : i32
    return %arg0, %c0_i32 : i32, i32
  }
  func.func @transform_2(%arg0: i32) -> (i32, i32) {
    %c0_i32 = arith.constant 0 : i32
    %c0_i32_0 = arith.constant 0 : i32
    return %arg0, %c0_i32 : i32, i32
  }
  func.func @transform_3(%arg0: i32) -> (i32, i32) {
    %c0_i32 = arith.constant 0 : i32
    %c0_i32_0 = arith.constant 0 : i32
    return %arg0, %c0_i32 : i32, i32
  }
}

module attributes {stable_mosaic.version = 14 : i64} {
  func.func @_bnmm_body(%arg0: i32, %arg1: memref<512x256xf32, #tpu.memory_space<vmem>>, %arg2: memref<2x256xf32, #tpu.memory_space<vmem>>, %arg3: memref<1x256xf32, #tpu.memory_space<vmem>>, %arg4: memref<1x256xf32, #tpu.memory_space<vmem>>, %arg5: memref<512x1xf32, #tpu.memory_space<vmem>>, %arg6: memref<256x128xf32, #tpu.memory_space<vmem>>, %arg7: memref<512x128xf32, #tpu.memory_space<vmem>>) attributes {dimension_semantics = [#tpu.dimension_semantics<arbitrary>], iteration_bounds = array<i64: 20>, scalar_prefetch = 0 : i64, scratch_operands = 0 : i64, tpu.core_type = #tpu.core_type<tc>, window_params = [{transform_indices = @transform_0, window_bounds = array<i64: 512, 256>}, {pipeline_mode = #tpu.pipeline_mode<synchronous>, transform_indices = @transform_1, window_bounds = array<i64: 2, 256>}, {pipeline_mode = #tpu.pipeline_mode<synchronous>, transform_indices = @transform_2, window_bounds = array<i64: 1, 256>}, {pipeline_mode = #tpu.pipeline_mode<synchronous>, transform_indices = @transform_3, window_bounds = array<i64: 1, 256>}, {transform_indices = @transform_4, window_bounds = array<i64: 512, 1>}, {pipeline_mode = #tpu.pipeline_mode<synchronous>, transform_indices = @transform_5, window_bounds = array<i64: 256, 128>}, {transform_indices = @transform_6, window_bounds = array<i64: 512, 128>}]} {
    %get3A = arith.constant 0 : index
    %get3A_0 = arith.constant 0 : index
    %get3A_1 = vector.load %arg2[%get3A, %get3A_0] : memref<2x256xf32, #tpu.memory_space<vmem>>, vector<2x256xf32>
    %slice3A = vector.extract_strided_slice %get3A_1 {offsets = [0, 0], sizes = [1, 256], strides = [1, 1]} : vector<2x256xf32> to vector<1x256xf32>
    %mul3A = arith.constant 9.99999974E-5 : f32
    %mul3A_2 = vector.broadcast %mul3A : f32 to vector<1x256xf32>
    %mul3A_3 = arith.mulf %slice3A, %mul3A_2 : vector<1x256xf32>
    %slice3A_4 = vector.extract_strided_slice %get3A_1 {offsets = [1, 0], sizes = [1, 256], strides = [1, 1]} : vector<2x256xf32> to vector<1x256xf32>
    %mul3A_5 = arith.constant 9.99999974E-5 : f32
    %mul3A_6 = vector.broadcast %mul3A_5 : f32 to vector<1x256xf32>
    %mul3A_7 = arith.mulf %slice3A_4, %mul3A_6 : vector<1x256xf32>
    %mul3A_8 = arith.mulf %mul3A_3, %mul3A_3 : vector<1x256xf32>
    %sub3A = arith.subf %mul3A_7, %mul3A_8 : vector<1x256xf32>
    %get3A_9 = arith.constant 0 : index
    %get3A_10 = arith.constant 0 : index
    %get3A_11 = vector.load %arg3[%get3A_9, %get3A_10] : memref<1x256xf32, #tpu.memory_space<vmem>>, vector<1x256xf32>
    %add3A = arith.constant 9.99999974E-6 : f32
    %add3A_12 = vector.broadcast %add3A : f32 to vector<1x256xf32>
    %add3A_13 = arith.addf %sub3A, %add3A_12 : vector<1x256xf32>
    %rsqrt3A = math.rsqrt %add3A_13 : vector<1x256xf32>
    %mul3A_14 = arith.mulf %get3A_11, %rsqrt3A : vector<1x256xf32>
    %get3A_15 = arith.constant 0 : index
    %get3A_16 = arith.constant 0 : index
    %get3A_17 = vector.load %arg1[%get3A_15, %get3A_16] : memref<512x256xf32, #tpu.memory_space<vmem>>, vector<512x256xf32>
    %sub3A_18 = vector.broadcast %mul3A_3 : vector<1x256xf32> to vector<512x256xf32>
    %sub3A_19 = arith.subf %get3A_17, %sub3A_18 : vector<512x256xf32>
    %mul3A_20 = vector.broadcast %mul3A_14 : vector<1x256xf32> to vector<512x256xf32>
    %mul3A_21 = arith.mulf %sub3A_19, %mul3A_20 : vector<512x256xf32>
    %get3A_22 = arith.constant 0 : index
    %get3A_23 = arith.constant 0 : index
    %get3A_24 = vector.load %arg4[%get3A_22, %get3A_23] : memref<1x256xf32, #tpu.memory_space<vmem>>, vector<1x256xf32>
    %add3A_25 = vector.broadcast %get3A_24 : vector<1x256xf32> to vector<512x256xf32>
    %add3A_26 = arith.addf %mul3A_21, %add3A_25 : vector<512x256xf32>
    %max3A = arith.constant 0.000000e+00 : f32
    %max3A_27 = vector.broadcast %max3A : f32 to vector<512x256xf32>
    %max3A_28 = arith.maximumf %add3A_26, %max3A_27 : vector<512x256xf32>
    %get3A_29 = arith.constant 0 : index
    %get3A_30 = arith.constant 0 : index
    %get3A_31 = vector.load %arg6[%get3A_29, %get3A_30] : memref<256x128xf32, #tpu.memory_space<vmem>>, vector<256x128xf32>
    %dot_general3A = arith.constant dense<0.000000e+00> : vector<512x128xf32>
    %dot_general3A_32 = tpu.matmul %max3A_28, %get3A_31, %dot_general3A {dimension_numbers = #tpu.dot_dimension_numbers<[1], [0], [0], [1], [0, 0, 1, 1], [], []>, transpose_lhs_hint = false} : vector<512x256xf32>, vector<256x128xf32>, vector<512x128xf32> -> vector<512x128xf32>
    %get3A_33 = arith.constant 0 : index
    %get3A_34 = arith.constant 0 : index
    %get3A_35 = vector.load %arg5[%get3A_33, %get3A_34] : memref<512x1xf32, #tpu.memory_space<vmem>>, vector<512x1xf32>
    %mul3A_36 = vector.broadcast %get3A_35 : vector<512x1xf32> to vector<512x128xf32>
    %mul3A_37 = arith.mulf %dot_general3A_32, %mul3A_36 : vector<512x128xf32>
    %swap3A = arith.constant 0 : index
    %swap3A_38 = arith.constant 0 : index
    %swap3A_39 = vector.load %arg7[%swap3A, %swap3A_38] : memref<512x128xf32, #tpu.memory_space<vmem>>, vector<512x128xf32>
    tpu.vector_store %arg7[%swap3A, %swap3A_38], %mul3A_37 {strides = array<i32>} : memref<512x128xf32, #tpu.memory_space<vmem>>, vector<512x128xf32>,
    return
  }
  func.func @transform_0(%arg0: i32) -> (i32, i32) {
    %c0_i32 = arith.constant 0 : i32
    %c0_i32_0 = arith.constant 0 : i32
    return %arg0, %c0_i32 : i32, i32
  }
  func.func @transform_1(%arg0: i32) -> (i32, i32) {
    %c0_i32 = arith.constant 0 : i32
    %c0_i32_0 = arith.constant 0 : i32
    %c0_i32_1 = arith.constant 0 : i32
    return %c0_i32, %c0_i32_0 : i32, i32
  }
  func.func @transform_2(%arg0: i32) -> (i32, i32) {
    %c0_i32 = arith.constant 0 : i32
    %c0_i32_0 = arith.constant 0 : i32
    %c0_i32_1 = arith.constant 0 : i32
    return %c0_i32, %c0_i32_0 : i32, i32
  }
  func.func @transform_3(%arg0: i32) -> (i32, i32) {
    %c0_i32 = arith.constant 0 : i32
    %c0_i32_0 = arith.constant 0 : i32
    %c0_i32_1 = arith.constant 0 : i32
    return %c0_i32, %c0_i32_0 : i32, i32
  }
  func.func @transform_4(%arg0: i32) -> (i32, i32) {
    %c0_i32 = arith.constant 0 : i32
    %c0_i32_0 = arith.constant 0 : i32
    return %arg0, %c0_i32 : i32, i32
  }
  func.func @transform_5(%arg0: i32) -> (i32, i32) {
    %c0_i32 = arith.constant 0 : i32
    %c0_i32_0 = arith.constant 0 : i32
    %c0_i32_1 = arith.constant 0 : i32
    return %c0_i32, %c0_i32_0 : i32, i32
  }
  func.func @transform_6(%arg0: i32) -> (i32, i32) {
    %c0_i32 = arith.constant 0 : i32
    %c0_i32_0 = arith.constant 0 : i32
    return %arg0, %c0_i32 : i32, i32
  }
}

module attributes {stable_mosaic.version = 14 : i64} {
  func.func @_mm1_body(%arg0: i32, %arg1: memref<2x512x128xf32, #tpu.memory_space<vmem>>, %arg2: memref<512x128xf32, #tpu.memory_space<vmem>>, %arg3: memref<512x1xf32, #tpu.memory_space<vmem>>, %arg4: memref<128x256xf32, #tpu.memory_space<vmem>>, %arg5: memref<1x256xf32, #tpu.memory_space<vmem>>, %arg6: memref<512x256xf32, #tpu.memory_space<vmem>>, %arg7: memref<2x256xf32, #tpu.memory_space<vmem>>) attributes {dimension_semantics = [#tpu.dimension_semantics<arbitrary>], iteration_bounds = array<i64: 20>, scalar_prefetch = 0 : i64, scratch_operands = 0 : i64, tpu.core_type = #tpu.core_type<tc>, window_params = [{transform_indices = @transform_0, window_bounds = array<i64: 2, 512, 128>}, {transform_indices = @transform_1, window_bounds = array<i64: 512, 128>}, {transform_indices = @transform_2, window_bounds = array<i64: 512, 1>}, {pipeline_mode = #tpu.pipeline_mode<synchronous>, transform_indices = @transform_3, window_bounds = array<i64: 128, 256>}, {pipeline_mode = #tpu.pipeline_mode<synchronous>, transform_indices = @transform_4, window_bounds = array<i64: 1, 256>}, {transform_indices = @transform_5, window_bounds = array<i64: 512, 256>}, {pipeline_mode = #tpu.pipeline_mode<synchronous>, transform_indices = @transform_6, window_bounds = array<i64: 2, 256>}]} {
    %get3A = arith.constant 0 : index
    %get3A_0 = arith.constant 0 : index
    %get3A_1 = arith.constant 0 : index
    %get3A_2 = vector.load %arg1[%get3A, %get3A_0, %get3A_1] : memref<2x512x128xf32, #tpu.memory_space<vmem>>, vector<1x512x128xf32>
    %get3A_3 = vector.shape_cast %get3A_2 : vector<1x512x128xf32> to vector<512x128xf32>
    %get3A_4 = arith.constant 1 : index
    %get3A_5 = arith.constant 0 : index
    %get3A_6 = arith.constant 0 : index
    %get3A_7 = vector.load %arg1[%get3A_4, %get3A_5, %get3A_6] : memref<2x512x128xf32, #tpu.memory_space<vmem>>, vector<1x512x128xf32>
    %get3A_8 = vector.shape_cast %get3A_7 : vector<1x512x128xf32> to vector<512x128xf32>
    %add3A = arith.addf %get3A_3, %get3A_8 : vector<512x128xf32>
    %get3A_9 = arith.constant 0 : index
    %get3A_10 = arith.constant 0 : index
    %get3A_11 = vector.load %arg2[%get3A_9, %get3A_10] : memref<512x128xf32, #tpu.memory_space<vmem>>, vector<512x128xf32>
    %add3A_12 = arith.addf %add3A, %get3A_11 : vector<512x128xf32>
    %get3A_13 = arith.constant 0 : index
    %get3A_14 = arith.constant 0 : index
    %get3A_15 = vector.load %arg3[%get3A_13, %get3A_14] : memref<512x1xf32, #tpu.memory_space<vmem>>, vector<512x1xf32>
    %mul3A = vector.broadcast %get3A_15 : vector<512x1xf32> to vector<512x128xf32>
    %mul3A_16 = arith.mulf %add3A_12, %mul3A : vector<512x128xf32>
    %get3A_17 = arith.constant 0 : index
    %get3A_18 = arith.constant 0 : index
    %get3A_19 = vector.load %arg4[%get3A_17, %get3A_18] : memref<128x256xf32, #tpu.memory_space<vmem>>, vector<128x256xf32>
    %dot_general3A = arith.constant dense<0.000000e+00> : vector<512x256xf32>
    %dot_general3A_20 = tpu.matmul %mul3A_16, %get3A_19, %dot_general3A {dimension_numbers = #tpu.dot_dimension_numbers<[1], [0], [0], [1], [0, 0, 1, 1], [], []>, transpose_lhs_hint = false} : vector<512x128xf32>, vector<128x256xf32>, vector<512x256xf32> -> vector<512x256xf32>
    %get3A_21 = arith.constant 0 : index
    %get3A_22 = arith.constant 0 : index
    %get3A_23 = vector.load %arg5[%get3A_21, %get3A_22] : memref<1x256xf32, #tpu.memory_space<vmem>>, vector<1x256xf32>
    %add3A_24 = vector.broadcast %get3A_23 : vector<1x256xf32> to vector<512x256xf32>
    %add3A_25 = arith.addf %dot_general3A_20, %add3A_24 : vector<512x256xf32>
    %swap3A = arith.constant 0 : index
    %swap3A_26 = arith.constant 0 : index
    %swap3A_27 = vector.load %arg6[%swap3A, %swap3A_26] : memref<512x256xf32, #tpu.memory_space<vmem>>, vector<512x256xf32>
    tpu.vector_store %arg6[%swap3A, %swap3A_26], %add3A_25 {strides = array<i32>} : memref<512x256xf32, #tpu.memory_space<vmem>>, vector<512x256xf32>,
    %mul3A_28 = arith.constant 512 : i32
    %mul3A_29 = arith.muli %arg0, %mul3A_28 : i32
    %iota3A = tpu.iota {dimensions = array<i32: 0>} : vector<512x1xi32>
    %add3A_30 = vector.broadcast %mul3A_29 : i32 to vector<512x1xi32>
    %add3A_31 = arith.addi %add3A_30, %iota3A : vector<512x1xi32>
    %lt3A = arith.constant 10000 : i32
    %lt3A_32 = vector.broadcast %lt3A : i32 to vector<512x1xi32>
    %lt3A_33 = arith.cmpi slt, %add3A_31, %lt3A_32 : vector<512x1xi32>
    %jit3A = arith.constant 0.000000e+00 : f32
    %broadcast_in_dim3A = vector.shape_cast %lt3A_33 : vector<512x1xi1> to vector<512x1xi1>
    %broadcast_in_dim3A_34 = vector.broadcast %broadcast_in_dim3A : vector<512x1xi1> to vector<512x256xi1>
    %broadcast_in_dim3A_35 = vector.broadcast %jit3A : f32 to vector<512x256xf32>
    %select_n3A = arith.select %broadcast_in_dim3A_34, %add3A_25, %broadcast_in_dim3A_35 : vector<512x256xi1>, vector<512x256xf32>
    %reduce_sum3A = arith.constant dense<0.000000e+00> : vector<256xf32>
    %reduce_sum3A_36 = vector.multi_reduction <add>, %select_n3A, %reduce_sum3A [0] : vector<512x256xf32> to vector<256xf32>
    %broadcast_in_dim3A_37 = vector.shape_cast %reduce_sum3A_36 : vector<256xf32> to vector<1x256xf32>
    %mul3A_38 = arith.mulf %select_n3A, %select_n3A : vector<512x256xf32>
    %reduce_sum3A_39 = arith.constant dense<0.000000e+00> : vector<256xf32>
    %reduce_sum3A_40 = vector.multi_reduction <add>, %mul3A_38, %reduce_sum3A_39 [0] : vector<512x256xf32> to vector<256xf32>
    %broadcast_in_dim3A_41 = vector.shape_cast %reduce_sum3A_40 : vector<256xf32> to vector<1x256xf32>
    %concatenate3A = tpu.concatenate %broadcast_in_dim3A_37, %broadcast_in_dim3A_41 in 0 : vector<1x256xf32>, vector<1x256xf32> -> vector<2x256xf32>
    %eq3A = arith.constant 0 : i32
    %eq3A_42 = arith.cmpi eq, %arg0, %eq3A : i32
    %convert_element_type3A = arith.extui %eq3A_42 : i1 to i32
    %cond3A = arith.constant 0 : i32
    %cond3A_43 = arith.cmpi ne, %convert_element_type3A, %cond3A : i32
    scf.if %cond3A_43 {
      %swap3A_48 = arith.constant 0 : index
      %swap3A_49 = arith.constant 0 : index
      %swap3A_50 = vector.load %arg7[%swap3A_48, %swap3A_49] : memref<2x256xf32, #tpu.memory_space<vmem>>, vector<2x256xf32>
      tpu.vector_store %arg7[%swap3A_48, %swap3A_49], %concatenate3A {strides = array<i32>} : memref<2x256xf32, #tpu.memory_space<vmem>>, vector<2x256xf32>,
    } else {
    }
    %gt3A = arith.constant 0 : i32
    %gt3A_44 = arith.cmpi sgt, %arg0, %gt3A : i32
    %convert_element_type3A_45 = arith.extui %gt3A_44 : i1 to i32
    %cond3A_46 = arith.constant 0 : i32
    %cond3A_47 = arith.cmpi ne, %convert_element_type3A_45, %cond3A_46 : i32
    scf.if %cond3A_47 {
      %get3A_48 = arith.constant 0 : index
      %get3A_49 = arith.constant 0 : index
      %get3A_50 = vector.load %arg7[%get3A_48, %get3A_49] : memref<2x256xf32, #tpu.memory_space<vmem>>, vector<2x256xf32>
      %add3A_51 = arith.addf %get3A_50, %concatenate3A : vector<2x256xf32>
      %swap3A_52 = arith.constant 0 : index
      %swap3A_53 = arith.constant 0 : index
      %swap3A_54 = vector.load %arg7[%swap3A_52, %swap3A_53] : memref<2x256xf32, #tpu.memory_space<vmem>>, vector<2x256xf32>
      tpu.vector_store %arg7[%swap3A_52, %swap3A_53], %add3A_51 {strides = array<i32>} : memref<2x256xf32, #tpu.memory_space<vmem>>, vector<2x256xf32>,
    } else {
    }
    return
  }
  func.func @transform_0(%arg0: i32) -> (i32, i32, i32) {
    %c0_i32 = arith.constant 0 : i32
    %c0_i32_0 = arith.constant 0 : i32
    %c0_i32_1 = arith.constant 0 : i32
    return %c0_i32, %arg0, %c0_i32_0 : i32, i32, i32
  }
  func.func @transform_1(%arg0: i32) -> (i32, i32) {
    %c0_i32 = arith.constant 0 : i32
    %c0_i32_0 = arith.constant 0 : i32
    return %arg0, %c0_i32 : i32, i32
  }
  func.func @transform_2(%arg0: i32) -> (i32, i32) {
    %c0_i32 = arith.constant 0 : i32
    %c0_i32_0 = arith.constant 0 : i32
    return %arg0, %c0_i32 : i32, i32
  }
  func.func @transform_3(%arg0: i32) -> (i32, i32) {
    %c0_i32 = arith.constant 0 : i32
    %c0_i32_0 = arith.constant 0 : i32
    %c0_i32_1 = arith.constant 0 : i32
    return %c0_i32, %c0_i32_0 : i32, i32
  }
  func.func @transform_4(%arg0: i32) -> (i32, i32) {
    %c0_i32 = arith.constant 0 : i32
    %c0_i32_0 = arith.constant 0 : i32
    %c0_i32_1 = arith.constant 0 : i32
    return %c0_i32, %c0_i32_0 : i32, i32
  }
  func.func @transform_5(%arg0: i32) -> (i32, i32) {
    %c0_i32 = arith.constant 0 : i32
    %c0_i32_0 = arith.constant 0 : i32
    return %arg0, %c0_i32 : i32, i32
  }
  func.func @transform_6(%arg0: i32) -> (i32, i32) {
    %c0_i32 = arith.constant 0 : i32
    %c0_i32_0 = arith.constant 0 : i32
    %c0_i32_1 = arith.constant 0 : i32
    return %c0_i32, %c0_i32_0 : i32, i32
  }
}

module attributes {stable_mosaic.version = 14 : i64} {
  func.func @_fin_body(%arg0: i32, %arg1: memref<2x512x128xf32, #tpu.memory_space<vmem>>, %arg2: memref<512x128xf32, #tpu.memory_space<vmem>>, %arg3: memref<512x1xf32, #tpu.memory_space<vmem>>, %arg4: memref<1x128xf32, #tpu.memory_space<vmem>>, %arg5: memref<512x128xf32, #tpu.memory_space<vmem>>, %arg6: memref<2x128xf32, #tpu.memory_space<vmem>>) attributes {dimension_semantics = [#tpu.dimension_semantics<arbitrary>], iteration_bounds = array<i64: 20>, scalar_prefetch = 0 : i64, scratch_operands = 0 : i64, tpu.core_type = #tpu.core_type<tc>, window_params = [{transform_indices = @transform_0, window_bounds = array<i64: 2, 512, 128>}, {transform_indices = @transform_1, window_bounds = array<i64: 512, 128>}, {transform_indices = @transform_2, window_bounds = array<i64: 512, 1>}, {pipeline_mode = #tpu.pipeline_mode<synchronous>, transform_indices = @transform_3, window_bounds = array<i64: 1, 128>}, {transform_indices = @transform_4, window_bounds = array<i64: 512, 128>}, {pipeline_mode = #tpu.pipeline_mode<synchronous>, transform_indices = @transform_5, window_bounds = array<i64: 2, 128>}]} {
    %get3A = arith.constant 0 : index
    %get3A_0 = arith.constant 0 : index
    %get3A_1 = arith.constant 0 : index
    %get3A_2 = vector.load %arg1[%get3A, %get3A_0, %get3A_1] : memref<2x512x128xf32, #tpu.memory_space<vmem>>, vector<1x512x128xf32>
    %get3A_3 = vector.shape_cast %get3A_2 : vector<1x512x128xf32> to vector<512x128xf32>
    %get3A_4 = arith.constant 1 : index
    %get3A_5 = arith.constant 0 : index
    %get3A_6 = arith.constant 0 : index
    %get3A_7 = vector.load %arg1[%get3A_4, %get3A_5, %get3A_6] : memref<2x512x128xf32, #tpu.memory_space<vmem>>, vector<1x512x128xf32>
    %get3A_8 = vector.shape_cast %get3A_7 : vector<1x512x128xf32> to vector<512x128xf32>
    %add3A = arith.addf %get3A_3, %get3A_8 : vector<512x128xf32>
    %get3A_9 = arith.constant 0 : index
    %get3A_10 = arith.constant 0 : index
    %get3A_11 = vector.load %arg2[%get3A_9, %get3A_10] : memref<512x128xf32, #tpu.memory_space<vmem>>, vector<512x128xf32>
    %add3A_12 = arith.addf %add3A, %get3A_11 : vector<512x128xf32>
    %get3A_13 = arith.constant 0 : index
    %get3A_14 = arith.constant 0 : index
    %get3A_15 = vector.load %arg3[%get3A_13, %get3A_14] : memref<512x1xf32, #tpu.memory_space<vmem>>, vector<512x1xf32>
    %mul3A = vector.broadcast %get3A_15 : vector<512x1xf32> to vector<512x128xf32>
    %mul3A_16 = arith.mulf %add3A_12, %mul3A : vector<512x128xf32>
    %get3A_17 = arith.constant 0 : index
    %get3A_18 = arith.constant 0 : index
    %get3A_19 = vector.load %arg4[%get3A_17, %get3A_18] : memref<1x128xf32, #tpu.memory_space<vmem>>, vector<1x128xf32>
    %add3A_20 = vector.broadcast %get3A_19 : vector<1x128xf32> to vector<512x128xf32>
    %add3A_21 = arith.addf %mul3A_16, %add3A_20 : vector<512x128xf32>
    %swap3A = arith.constant 0 : index
    %swap3A_22 = arith.constant 0 : index
    %swap3A_23 = vector.load %arg5[%swap3A, %swap3A_22] : memref<512x128xf32, #tpu.memory_space<vmem>>, vector<512x128xf32>
    tpu.vector_store %arg5[%swap3A, %swap3A_22], %add3A_21 {strides = array<i32>} : memref<512x128xf32, #tpu.memory_space<vmem>>, vector<512x128xf32>,
    %mul3A_24 = arith.constant 512 : i32
    %mul3A_25 = arith.muli %arg0, %mul3A_24 : i32
    %iota3A = tpu.iota {dimensions = array<i32: 0>} : vector<512x1xi32>
    %add3A_26 = vector.broadcast %mul3A_25 : i32 to vector<512x1xi32>
    %add3A_27 = arith.addi %add3A_26, %iota3A : vector<512x1xi32>
    %lt3A = arith.constant 10000 : i32
    %lt3A_28 = vector.broadcast %lt3A : i32 to vector<512x1xi32>
    %lt3A_29 = arith.cmpi slt, %add3A_27, %lt3A_28 : vector<512x1xi32>
    %jit3A = arith.constant 0.000000e+00 : f32
    %broadcast_in_dim3A = vector.shape_cast %lt3A_29 : vector<512x1xi1> to vector<512x1xi1>
    %broadcast_in_dim3A_30 = vector.broadcast %broadcast_in_dim3A : vector<512x1xi1> to vector<512x128xi1>
    %broadcast_in_dim3A_31 = vector.broadcast %jit3A : f32 to vector<512x128xf32>
    %select_n3A = arith.select %broadcast_in_dim3A_30, %add3A_21, %broadcast_in_dim3A_31 : vector<512x128xi1>, vector<512x128xf32>
    %reduce_sum3A = arith.constant dense<0.000000e+00> : vector<128xf32>
    %reduce_sum3A_32 = vector.multi_reduction <add>, %select_n3A, %reduce_sum3A [0] : vector<512x128xf32> to vector<128xf32>
    %broadcast_in_dim3A_33 = vector.shape_cast %reduce_sum3A_32 : vector<128xf32> to vector<1x128xf32>
    %mul3A_34 = arith.mulf %select_n3A, %select_n3A : vector<512x128xf32>
    %reduce_sum3A_35 = arith.constant dense<0.000000e+00> : vector<128xf32>
    %reduce_sum3A_36 = vector.multi_reduction <add>, %mul3A_34, %reduce_sum3A_35 [0] : vector<512x128xf32> to vector<128xf32>
    %broadcast_in_dim3A_37 = vector.shape_cast %reduce_sum3A_36 : vector<128xf32> to vector<1x128xf32>
    %concatenate3A = tpu.concatenate %broadcast_in_dim3A_33, %broadcast_in_dim3A_37 in 0 : vector<1x128xf32>, vector<1x128xf32> -> vector<2x128xf32>
    %eq3A = arith.constant 0 : i32
    %eq3A_38 = arith.cmpi eq, %arg0, %eq3A : i32
    %convert_element_type3A = arith.extui %eq3A_38 : i1 to i32
    %cond3A = arith.constant 0 : i32
    %cond3A_39 = arith.cmpi ne, %convert_element_type3A, %cond3A : i32
    scf.if %cond3A_39 {
      %swap3A_44 = arith.constant 0 : index
      %swap3A_45 = arith.constant 0 : index
      %swap3A_46 = vector.load %arg6[%swap3A_44, %swap3A_45] : memref<2x128xf32, #tpu.memory_space<vmem>>, vector<2x128xf32>
      tpu.vector_store %arg6[%swap3A_44, %swap3A_45], %concatenate3A {strides = array<i32>} : memref<2x128xf32, #tpu.memory_space<vmem>>, vector<2x128xf32>,
    } else {
    }
    %gt3A = arith.constant 0 : i32
    %gt3A_40 = arith.cmpi sgt, %arg0, %gt3A : i32
    %convert_element_type3A_41 = arith.extui %gt3A_40 : i1 to i32
    %cond3A_42 = arith.constant 0 : i32
    %cond3A_43 = arith.cmpi ne, %convert_element_type3A_41, %cond3A_42 : i32
    scf.if %cond3A_43 {
      %get3A_44 = arith.constant 0 : index
      %get3A_45 = arith.constant 0 : index
      %get3A_46 = vector.load %arg6[%get3A_44, %get3A_45] : memref<2x128xf32, #tpu.memory_space<vmem>>, vector<2x128xf32>
      %add3A_47 = arith.addf %get3A_46, %concatenate3A : vector<2x128xf32>
      %swap3A_48 = arith.constant 0 : index
      %swap3A_49 = arith.constant 0 : index
      %swap3A_50 = vector.load %arg6[%swap3A_48, %swap3A_49] : memref<2x128xf32, #tpu.memory_space<vmem>>, vector<2x128xf32>
      tpu.vector_store %arg6[%swap3A_48, %swap3A_49], %add3A_47 {strides = array<i32>} : memref<2x128xf32, #tpu.memory_space<vmem>>, vector<2x128xf32>,
    } else {
    }
    return
  }
  func.func @transform_0(%arg0: i32) -> (i32, i32, i32) {
    %c0_i32 = arith.constant 0 : i32
    %c0_i32_0 = arith.constant 0 : i32
    %c0_i32_1 = arith.constant 0 : i32
    return %c0_i32, %arg0, %c0_i32_0 : i32, i32, i32
  }
  func.func @transform_1(%arg0: i32) -> (i32, i32) {
    %c0_i32 = arith.constant 0 : i32
    %c0_i32_0 = arith.constant 0 : i32
    return %arg0, %c0_i32 : i32, i32
  }
  func.func @transform_2(%arg0: i32) -> (i32, i32) {
    %c0_i32 = arith.constant 0 : i32
    %c0_i32_0 = arith.constant 0 : i32
    return %arg0, %c0_i32 : i32, i32
  }
  func.func @transform_3(%arg0: i32) -> (i32, i32) {
    %c0_i32 = arith.constant 0 : i32
    %c0_i32_0 = arith.constant 0 : i32
    %c0_i32_1 = arith.constant 0 : i32
    return %c0_i32, %c0_i32_0 : i32, i32
  }
  func.func @transform_4(%arg0: i32) -> (i32, i32) {
    %c0_i32 = arith.constant 0 : i32
    %c0_i32_0 = arith.constant 0 : i32
    return %arg0, %c0_i32 : i32, i32
  }
  func.func @transform_5(%arg0: i32) -> (i32, i32) {
    %c0_i32 = arith.constant 0 : i32
    %c0_i32_0 = arith.constant 0 : i32
    %c0_i32_1 = arith.constant 0 : i32
    return %c0_i32, %c0_i32_0 : i32, i32
  }
}

module attributes {stable_mosaic.version = 14 : i64} {
  func.func @_bnmm_body(%arg0: i32, %arg1: memref<512x128xf32, #tpu.memory_space<vmem>>, %arg2: memref<2x128xf32, #tpu.memory_space<vmem>>, %arg3: memref<1x128xf32, #tpu.memory_space<vmem>>, %arg4: memref<1x128xf32, #tpu.memory_space<vmem>>, %arg5: memref<512x1xf32, #tpu.memory_space<vmem>>, %arg6: memref<128x128xf32, #tpu.memory_space<vmem>>, %arg7: memref<512x128xf32, #tpu.memory_space<vmem>>) attributes {dimension_semantics = [#tpu.dimension_semantics<arbitrary>], iteration_bounds = array<i64: 20>, scalar_prefetch = 0 : i64, scratch_operands = 0 : i64, tpu.core_type = #tpu.core_type<tc>, window_params = [{transform_indices = @transform_0, window_bounds = array<i64: 512, 128>}, {pipeline_mode = #tpu.pipeline_mode<synchronous>, transform_indices = @transform_1, window_bounds = array<i64: 2, 128>}, {pipeline_mode = #tpu.pipeline_mode<synchronous>, transform_indices = @transform_2, window_bounds = array<i64: 1, 128>}, {pipeline_mode = #tpu.pipeline_mode<synchronous>, transform_indices = @transform_3, window_bounds = array<i64: 1, 128>}, {transform_indices = @transform_4, window_bounds = array<i64: 512, 1>}, {pipeline_mode = #tpu.pipeline_mode<synchronous>, transform_indices = @transform_5, window_bounds = array<i64: 128, 128>}, {transform_indices = @transform_6, window_bounds = array<i64: 512, 128>}]} {
    %get3A = arith.constant 0 : index
    %get3A_0 = arith.constant 0 : index
    %get3A_1 = vector.load %arg2[%get3A, %get3A_0] : memref<2x128xf32, #tpu.memory_space<vmem>>, vector<2x128xf32>
    %slice3A = vector.extract_strided_slice %get3A_1 {offsets = [0, 0], sizes = [1, 128], strides = [1, 1]} : vector<2x128xf32> to vector<1x128xf32>
    %mul3A = arith.constant 9.99999974E-5 : f32
    %mul3A_2 = vector.broadcast %mul3A : f32 to vector<1x128xf32>
    %mul3A_3 = arith.mulf %slice3A, %mul3A_2 : vector<1x128xf32>
    %slice3A_4 = vector.extract_strided_slice %get3A_1 {offsets = [1, 0], sizes = [1, 128], strides = [1, 1]} : vector<2x128xf32> to vector<1x128xf32>
    %mul3A_5 = arith.constant 9.99999974E-5 : f32
    %mul3A_6 = vector.broadcast %mul3A_5 : f32 to vector<1x128xf32>
    %mul3A_7 = arith.mulf %slice3A_4, %mul3A_6 : vector<1x128xf32>
    %mul3A_8 = arith.mulf %mul3A_3, %mul3A_3 : vector<1x128xf32>
    %sub3A = arith.subf %mul3A_7, %mul3A_8 : vector<1x128xf32>
    %get3A_9 = arith.constant 0 : index
    %get3A_10 = arith.constant 0 : index
    %get3A_11 = vector.load %arg3[%get3A_9, %get3A_10] : memref<1x128xf32, #tpu.memory_space<vmem>>, vector<1x128xf32>
    %add3A = arith.constant 9.99999974E-6 : f32
    %add3A_12 = vector.broadcast %add3A : f32 to vector<1x128xf32>
    %add3A_13 = arith.addf %sub3A, %add3A_12 : vector<1x128xf32>
    %rsqrt3A = math.rsqrt %add3A_13 : vector<1x128xf32>
    %mul3A_14 = arith.mulf %get3A_11, %rsqrt3A : vector<1x128xf32>
    %get3A_15 = arith.constant 0 : index
    %get3A_16 = arith.constant 0 : index
    %get3A_17 = vector.load %arg1[%get3A_15, %get3A_16] : memref<512x128xf32, #tpu.memory_space<vmem>>, vector<512x128xf32>
    %sub3A_18 = vector.broadcast %mul3A_3 : vector<1x128xf32> to vector<512x128xf32>
    %sub3A_19 = arith.subf %get3A_17, %sub3A_18 : vector<512x128xf32>
    %mul3A_20 = vector.broadcast %mul3A_14 : vector<1x128xf32> to vector<512x128xf32>
    %mul3A_21 = arith.mulf %sub3A_19, %mul3A_20 : vector<512x128xf32>
    %get3A_22 = arith.constant 0 : index
    %get3A_23 = arith.constant 0 : index
    %get3A_24 = vector.load %arg4[%get3A_22, %get3A_23] : memref<1x128xf32, #tpu.memory_space<vmem>>, vector<1x128xf32>
    %add3A_25 = vector.broadcast %get3A_24 : vector<1x128xf32> to vector<512x128xf32>
    %add3A_26 = arith.addf %mul3A_21, %add3A_25 : vector<512x128xf32>
    %max3A = arith.constant 0.000000e+00 : f32
    %max3A_27 = vector.broadcast %max3A : f32 to vector<512x128xf32>
    %max3A_28 = arith.maximumf %add3A_26, %max3A_27 : vector<512x128xf32>
    %get3A_29 = arith.constant 0 : index
    %get3A_30 = arith.constant 0 : index
    %get3A_31 = vector.load %arg6[%get3A_29, %get3A_30] : memref<128x128xf32, #tpu.memory_space<vmem>>, vector<128x128xf32>
    %dot_general3A = arith.constant dense<0.000000e+00> : vector<512x128xf32>
    %dot_general3A_32 = tpu.matmul %max3A_28, %get3A_31, %dot_general3A {dimension_numbers = #tpu.dot_dimension_numbers<[1], [0], [0], [1], [0, 0, 1, 1], [], []>, transpose_lhs_hint = false} : vector<512x128xf32>, vector<128x128xf32>, vector<512x128xf32> -> vector<512x128xf32>
    %get3A_33 = arith.constant 0 : index
    %get3A_34 = arith.constant 0 : index
    %get3A_35 = vector.load %arg5[%get3A_33, %get3A_34] : memref<512x1xf32, #tpu.memory_space<vmem>>, vector<512x1xf32>
    %mul3A_36 = vector.broadcast %get3A_35 : vector<512x1xf32> to vector<512x128xf32>
    %mul3A_37 = arith.mulf %dot_general3A_32, %mul3A_36 : vector<512x128xf32>
    %swap3A = arith.constant 0 : index
    %swap3A_38 = arith.constant 0 : index
    %swap3A_39 = vector.load %arg7[%swap3A, %swap3A_38] : memref<512x128xf32, #tpu.memory_space<vmem>>, vector<512x128xf32>
    tpu.vector_store %arg7[%swap3A, %swap3A_38], %mul3A_37 {strides = array<i32>} : memref<512x128xf32, #tpu.memory_space<vmem>>, vector<512x128xf32>,
    return
  }
  func.func @transform_0(%arg0: i32) -> (i32, i32) {
    %c0_i32 = arith.constant 0 : i32
    %c0_i32_0 = arith.constant 0 : i32
    return %arg0, %c0_i32 : i32, i32
  }
  func.func @transform_1(%arg0: i32) -> (i32, i32) {
    %c0_i32 = arith.constant 0 : i32
    %c0_i32_0 = arith.constant 0 : i32
    %c0_i32_1 = arith.constant 0 : i32
    return %c0_i32, %c0_i32_0 : i32, i32
  }
  func.func @transform_2(%arg0: i32) -> (i32, i32) {
    %c0_i32 = arith.constant 0 : i32
    %c0_i32_0 = arith.constant 0 : i32
    %c0_i32_1 = arith.constant 0 : i32
    return %c0_i32, %c0_i32_0 : i32, i32
  }
  func.func @transform_3(%arg0: i32) -> (i32, i32) {
    %c0_i32 = arith.constant 0 : i32
    %c0_i32_0 = arith.constant 0 : i32
    %c0_i32_1 = arith.constant 0 : i32
    return %c0_i32, %c0_i32_0 : i32, i32
  }
  func.func @transform_4(%arg0: i32) -> (i32, i32) {
    %c0_i32 = arith.constant 0 : i32
    %c0_i32_0 = arith.constant 0 : i32
    return %arg0, %c0_i32 : i32, i32
  }
  func.func @transform_5(%arg0: i32) -> (i32, i32) {
    %c0_i32 = arith.constant 0 : i32
    %c0_i32_0 = arith.constant 0 : i32
    %c0_i32_1 = arith.constant 0 : i32
    return %c0_i32, %c0_i32_0 : i32, i32
  }
  func.func @transform_6(%arg0: i32) -> (i32, i32) {
    %c0_i32 = arith.constant 0 : i32
    %c0_i32_0 = arith.constant 0 : i32
    return %arg0, %c0_i32 : i32, i32
  }
}

module attributes {stable_mosaic.version = 14 : i64} {
  func.func @_out_body(%arg0: i32, %arg1: memref<2x512x128xf32, #tpu.memory_space<vmem>>, %arg2: memref<512x128xf32, #tpu.memory_space<vmem>>, %arg3: memref<512x1xf32, #tpu.memory_space<vmem>>, %arg4: memref<1x128xf32, #tpu.memory_space<vmem>>, %arg5: memref<512x128xf32, #tpu.memory_space<vmem>>) attributes {dimension_semantics = [#tpu.dimension_semantics<arbitrary>], iteration_bounds = array<i64: 20>, scalar_prefetch = 0 : i64, scratch_operands = 0 : i64, tpu.core_type = #tpu.core_type<tc>, window_params = [{transform_indices = @transform_0, window_bounds = array<i64: 2, 512, 128>}, {transform_indices = @transform_1, window_bounds = array<i64: 512, 128>}, {transform_indices = @transform_2, window_bounds = array<i64: 512, 1>}, {pipeline_mode = #tpu.pipeline_mode<synchronous>, transform_indices = @transform_3, window_bounds = array<i64: 1, 128>}, {transform_indices = @transform_4, window_bounds = array<i64: 512, 128>}]} {
    %get3A = arith.constant 0 : index
    %get3A_0 = arith.constant 0 : index
    %get3A_1 = arith.constant 0 : index
    %get3A_2 = vector.load %arg1[%get3A, %get3A_0, %get3A_1] : memref<2x512x128xf32, #tpu.memory_space<vmem>>, vector<1x512x128xf32>
    %get3A_3 = vector.shape_cast %get3A_2 : vector<1x512x128xf32> to vector<512x128xf32>
    %get3A_4 = arith.constant 1 : index
    %get3A_5 = arith.constant 0 : index
    %get3A_6 = arith.constant 0 : index
    %get3A_7 = vector.load %arg1[%get3A_4, %get3A_5, %get3A_6] : memref<2x512x128xf32, #tpu.memory_space<vmem>>, vector<1x512x128xf32>
    %get3A_8 = vector.shape_cast %get3A_7 : vector<1x512x128xf32> to vector<512x128xf32>
    %add3A = arith.addf %get3A_3, %get3A_8 : vector<512x128xf32>
    %get3A_9 = arith.constant 0 : index
    %get3A_10 = arith.constant 0 : index
    %get3A_11 = vector.load %arg2[%get3A_9, %get3A_10] : memref<512x128xf32, #tpu.memory_space<vmem>>, vector<512x128xf32>
    %add3A_12 = arith.addf %add3A, %get3A_11 : vector<512x128xf32>
    %get3A_13 = arith.constant 0 : index
    %get3A_14 = arith.constant 0 : index
    %get3A_15 = vector.load %arg3[%get3A_13, %get3A_14] : memref<512x1xf32, #tpu.memory_space<vmem>>, vector<512x1xf32>
    %mul3A = vector.broadcast %get3A_15 : vector<512x1xf32> to vector<512x128xf32>
    %mul3A_16 = arith.mulf %add3A_12, %mul3A : vector<512x128xf32>
    %get3A_17 = arith.constant 0 : index
    %get3A_18 = arith.constant 0 : index
    %get3A_19 = vector.load %arg4[%get3A_17, %get3A_18] : memref<1x128xf32, #tpu.memory_space<vmem>>, vector<1x128xf32>
    %add3A_20 = vector.broadcast %get3A_19 : vector<1x128xf32> to vector<512x128xf32>
    %add3A_21 = arith.addf %mul3A_16, %add3A_20 : vector<512x128xf32>
    %iota3A = tpu.iota {dimensions = array<i32: 1>} : vector<512x128xi32>
    %lt3A = arith.constant 40 : i32
    %lt3A_22 = vector.broadcast %lt3A : i32 to vector<512x128xi32>
    %lt3A_23 = arith.cmpi slt, %iota3A, %lt3A_22 : vector<512x128xi32>
    %jit3A = arith.constant -1.000000e+30 : f32
    %broadcast_in_dim3A = vector.broadcast %jit3A : f32 to vector<512x128xf32>
    %select_n3A = arith.select %lt3A_23, %add3A_21, %broadcast_in_dim3A : vector<512x128xi1>, vector<512x128xf32>
    %reduce_max3A = arith.constant dense<0xFF800000> : vector<512xf32>
    %reduce_max3A_24 = vector.multi_reduction <maximumf>, %select_n3A, %reduce_max3A [1] : vector<512x128xf32> to vector<512xf32>
    %broadcast_in_dim3A_25 = vector.shape_cast %reduce_max3A_24 : vector<512xf32> to vector<512x1xf32>
    %sub3A = vector.broadcast %broadcast_in_dim3A_25 : vector<512x1xf32> to vector<512x128xf32>
    %sub3A_26 = arith.subf %select_n3A, %sub3A : vector<512x128xf32>
    %exp3A = math.exp %sub3A_26 : vector<512x128xf32>
    %reduce_sum3A = arith.constant dense<0.000000e+00> : vector<512xf32>
    %reduce_sum3A_27 = vector.multi_reduction <add>, %exp3A, %reduce_sum3A [1] : vector<512x128xf32> to vector<512xf32>
    %broadcast_in_dim3A_28 = vector.shape_cast %reduce_sum3A_27 : vector<512xf32> to vector<512x1xf32>
    %sub3A_29 = vector.broadcast %broadcast_in_dim3A_25 : vector<512x1xf32> to vector<512x128xf32>
    %sub3A_30 = arith.subf %add3A_21, %sub3A_29 : vector<512x128xf32>
    %log3A = math.log %broadcast_in_dim3A_28 : vector<512x1xf32>
    %sub3A_31 = vector.broadcast %log3A : vector<512x1xf32> to vector<512x128xf32>
    %sub3A_32 = arith.subf %sub3A_30, %sub3A_31 : vector<512x128xf32>
    %swap3A = arith.constant 0 : index
    %swap3A_33 = arith.constant 0 : index
    %swap3A_34 = vector.load %arg5[%swap3A, %swap3A_33] : memref<512x128xf32, #tpu.memory_space<vmem>>, vector<512x128xf32>
    tpu.vector_store %arg5[%swap3A, %swap3A_33], %sub3A_32 {strides = array<i32>} : memref<512x128xf32, #tpu.memory_space<vmem>>, vector<512x128xf32>,
    return
  }
  func.func @transform_0(%arg0: i32) -> (i32, i32, i32) {
    %c0_i32 = arith.constant 0 : i32
    %c0_i32_0 = arith.constant 0 : i32
    %c0_i32_1 = arith.constant 0 : i32
    return %c0_i32, %arg0, %c0_i32_0 : i32, i32, i32
  }
  func.func @transform_1(%arg0: i32) -> (i32, i32) {
    %c0_i32 = arith.constant 0 : i32
    %c0_i32_0 = arith.constant 0 : i32
    return %arg0, %c0_i32 : i32, i32
  }
  func.func @transform_2(%arg0: i32) -> (i32, i32) {
    %c0_i32 = arith.constant 0 : i32
    %c0_i32_0 = arith.constant 0 : i32
    return %arg0, %c0_i32 : i32, i32
  }
  func.func @transform_3(%arg0: i32) -> (i32, i32) {
    %c0_i32 = arith.constant 0 : i32
    %c0_i32_0 = arith.constant 0 : i32
    %c0_i32_1 = arith.constant 0 : i32
    return %c0_i32, %c0_i32_0 : i32, i32
  }
  func.func @transform_4(%arg0: i32) -> (i32, i32) {
    %c0_i32 = arith.constant 0 : i32
    %c0_i32_0 = arith.constant 0 : i32
    return %arg0, %c0_i32 : i32, i32
  }
}

</mosaic_0001>

<sc_bundles>
// kernel: kernel.15.cloned.1.call-start
scs
__scs_entry_jumppad:
0x0: {  	(pc) =	sbr.rel $0x88, $3  }
0x1: {  	(tag) =	ssettag $0x0;
	lr =	simm.s32 $0x1  }
0x2: {  	[smem:$0x3F91] =	sst lr;
	_ =	strace $0xD0000000  }
0x3: {  	_ = 	snop  }
0x4: {  	_ = 	snop  }
0x5: {  	_ = 	snop  }
0x6: {  	_ = 	snop  }
0x7: {  	_ = 	snop  }
__scs_overlays_trampoline_lowered:
0x8: {  	[smem:$0x3FA0] =	sst s0  }
0x9: {  	[smem:$0x3FA1] =	sst s1  }
0xa: {  	[smem:$0x3FA2] =	sst s2  }
0xb: {  	[smem:$0x3FA3] =	sst s3  }
0xc: {  	[smem:$0x3FA4] =	sst s4  }
0xd: {  	[smem:$0x3FA5] =	sst s5  }
0xe: {  	[smem:$0x3FA6] =	sst s6  }
0xf: {  	[smem:$0x3FA7] =	sst s7  }
0x10: {  	[smem:$0x3FA8] =	sst s8  }
0x11: {  	[smem:$0x3FA9] =	sst s9;
	s0 =	simm.s32 @!p0 $0x0  }
0x12: {  	s1 =	sld [smem:$0x3F8F];
	s0 =	simm.s32 @p0 $0x1  }
0x13: {  	[smem:$0x3FAA] =	sst s0;
	s0 =	simm.s32 @!p1 $0x0  }
0x14: {  	s2 =	sld [smem:$0x3F8E];
	s0 =	simm.s32 @p1 $0x1  }
0x15: {  	[smem:$0x3FAB] =	sst s0;
	s0 =	simm.s32 @!p2 $0x0  }
0x16: {  	s3 =	sld [smem:$0x3FDB];
	s0 =	simm.s32 @p2 $0x1  }
0x17: {  	s4 =	simm.s32 $0x1BF5;
	[smem:$0x3FAD] =	sst s0  }
0x18: {  	s0 =	sld [smem:$0x3F90];
	_ =	swait.ge [sflag:s4], $0x0  }
0x19: {  	s7 =	sld [smem:$0x3F91]  }
0x1a: {  	s8 =	sadd.s32 $0xFFFFE003, lr  }
0x1b: {  	s9 =	sadd.s32 $0xFFFFFEF7, lr;
	s5 =	simm.s32 $0xFFFFFFFF;
	p2 =	slt.u32 s8, $0xFFFFF086  }
0x1c: {  	p1 =	slt.u32 s9, $0xF7A;
	s5 =	simm.s32 @!p2 $0x0  }
0x1d: {  	s5 =	simm.s32 @p1 $0x1;
	p0 =	seq.s32 s7, s2  }
0x1e: {  	s7 =	smul.u32 @!p0 $0xF7A, s2;
	p2 =	seq.s32 @!p0 s5, $0x0  }
0x1f: {  	s9 =	smul.u32 $0xF7A, s1;
	s8 =	simm.s32 @!p0 $0x1BF5;
	p2 =	por !p2, p0  }
0x20: {  	[sflag:s8] =	ssyncset.s32 @!p0 $0xFFFFF086;
	s6 =	sadd.s32 @!p0 s3, s7;
	s7 =	simm.s32 @!p0 $0x108  }
0x21: {  	s3 =	sadd.s32 s3, s9;
	s6 =	sadd.s32 @!p0 $0x88, s6;
	s7 =	simm.s32 @p2 $0x1082  }
0x22: {  	[simem:s7], [sflag:s8] =	dma.local @!p0 [hbm:s6], $0xF7A  }
0x23: {  	s9 =	sor.u32 $0xD0000000, s2;
	s6 =	simm.s32 $0x108;
	_ =	swait.ge @!p0 [sflag:s8], $0x0  }
0x24: {  	s3 =	sadd.s32 $0x88, s3;
	s6 =	simm.s32 @!p1 $0x1082;
	[sflag:s4] =	ssyncset.s32 $0xFFFFF086  }
0x25: {  	[simem:s6], [sflag:s4] =	dma.local [hbm:s3], $0xF7A  }
0x26: {  	[smem:$0x3F91] =	sst s1;
	(tag) =	ssettag s2;
	_ =	strace s9  }
0x27: {  	s1 =	sld [smem:$0x3FA1]  }
0x28: {  	s2 =	sld [smem:$0x3FA2]  }
0x29: {  	s4 =	sld [smem:$0x3FA4]  }
0x2a: {  	p0 =	seq.s32 s5, $0x0;
	s5 =	sld [smem:$0x3FA5]  }
0x2b: {  	s6 =	sld [smem:$0x3FA6]  }
0x2c: {  	s7 =	sld [smem:$0x3FA7]  }
0x2d: {  	s3 =	simm.s32 $0x108;
	s8 =	sld [smem:$0x3FA8]  }
0x2e: {  	s3 =	simm.s32 @!p0 $0x1082;
	s9 =	sld [smem:$0x3FA9]  }
0x2f: {  	lr =	sadd.s32 s0, s3;
	s0 =	sld [smem:$0x3FA0]  }
0x30: {  	s3 =	sld [smem:$0x3FA3]  }
0x31: {  	[smem:$0x3FAC] =	sst s10  }
0x32: {  	s10 =	sld [smem:$0x3FAA];
	_ =	sdelay $0x3  }
0x33: {  	p0 =	seq.s32 s10, $0x1;
	s10 =	sld [smem:$0x3FAC];
	_ =	sdelay $0x3  }
0x34: {  	[smem:$0x3FAC] =	sst s10  }
0x35: {  	s10 =	sld [smem:$0x3FAB];
	_ =	sdelay $0x3  }
0x36: {  	p1 =	seq.s32 s10, $0x1;
	s10 =	sld [smem:$0x3FAC];
	_ =	sdelay $0x3  }
0x37: {  	[smem:$0x3FAC] =	sst s10  }
0x38: {  	s10 =	sld [smem:$0x3FAD]  }
0x39: {  	_ = 	snop;
	(pc) =	sbr.ind lr, $3  }
0x3a: {  	_ = 	snop  }
0x3b: {  	_ = 	snop  }
0x3c: {  	p2 =	seq.s32 s10, $0x1;
	s10 =	sld [smem:$0x3FAC]  }
0x3d: {  	_ =	shalt  }
0x3e: {  	_ =	shalt  }
0x3f: {  	_ =	shalt  }
0x40: {  	_ =	shalt  }
0x41: {  	_ =	shalt  }
0x42: {  	_ =	shalt  }
0x43: {  	_ =	shalt  }
0x44: {  	_ =	shalt  }
0x45: {  	_ =	shalt  }
0x46: {  	_ =	shalt  }
0x47: {  	_ =	shalt  }
0x48: {  	_ =	shalt  }
0x49: {  	_ =	shalt  }
0x4a: {  	_ =	shalt  }
0x4b: {  	_ =	shalt  }
0x4c: {  	_ =	shalt  }
0x4d: {  	_ =	shalt  }
0x4e: {  	_ =	shalt  }
0x4f: {  	_ =	shalt  }
0x50: {  	_ =	shalt  }
0x51: {  	_ =	shalt  }
0x52: {  	_ =	shalt  }
0x53: {  	_ =	shalt  }
0x54: {  	_ =	shalt  }
0x55: {  	_ =	shalt  }
0x56: {  	_ =	shalt  }
0x57: {  	_ =	shalt  }
0x58: {  	_ =	shalt  }
0x59: {  	_ =	shalt  }
0x5a: {  	_ =	shalt  }
0x5b: {  	_ =	shalt  }
0x5c: {  	_ =	shalt  }
0x5d: {  	_ =	shalt  }
0x5e: {  	_ =	shalt  }
0x5f: {  	_ =	shalt  }
0x60: {  	_ =	shalt  }
0x61: {  	_ =	shalt  }
0x62: {  	_ =	shalt  }
0x63: {  	_ =	shalt  }
0x64: {  	_ =	shalt  }
0x65: {  	_ =	shalt  }
0x66: {  	_ =	shalt  }
0x67: {  	_ =	shalt  }
0x68: {  	_ =	shalt  }
0x69: {  	_ =	shalt  }
0x6a: {  	_ =	shalt  }
0x6b: {  	_ =	shalt  }
0x6c: {  	_ =	shalt  }
0x6d: {  	_ =	shalt  }
0x6e: {  	_ =	shalt  }
0x6f: {  	_ =	shalt  }
0x70: {  	_ =	shalt  }
0x71: {  	_ =	shalt  }
0x72: {  	_ =	shalt  }
0x73: {  	_ =	shalt  }
0x74: {  	_ =	shalt  }
0x75: {  	_ =	shalt  }
0x76: {  	_ =	shalt  }
0x77: {  	_ =	shalt  }
0x78: {  	_ =	shalt  }
0x79: {  	_ =	shalt  }
0x7a: {  	_ =	shalt  }
0x7b: {  	_ =	shalt  }
0x7c: {  	_ =	shalt  }
0x7d: {  	_ =	shalt  }
0x7e: {  	_ =	shalt  }
0x7f: {  	_ =	shalt  }
0x80: {  	_ =	shalt  }
0x81: {  	_ =	shalt  }
0x82: {  	_ =	shalt  }
0x83: {  	_ =	shalt  }
0x84: {  	_ =	shalt  }
0x85: {  	_ =	shalt  }
0x86: {  	_ =	shalt  }
0x87: {  	_ =	shalt  }
.Lfunc_end0:
.L_simem_size_0:
called_computation_lowered:
.L_overlay_start_0:
0x88: {  	s2 =	sld [smem:$0x3FD9]  }
0x89: {  	s3 =	sld [smem:$0x3FFE];
	_ =	sdelay $0x1  }
0x8a: {  	s1 =	srdreg.scid  }
0x8b: {  	s0 =	sand.u32 $0x1, s1  }
0x8c: {  	s16 =	sshll.u32 s0, $0xA;
	s2 =	sadd.s32 s3, s2  }
0x8d: {  	s2 =	sadd.s32 s2, s16  }
0x8e: {  	[smem:$0x3FB8] =	sst s2  }
0x8f: {  	_ = 	snop  }
0x90: {  	(tm) =	ssettm $0x1  }
0x91: {  	s17 =	sld [smem:$0x3FFB];
	_ =	sdelay $0x3  }
0x92: {  	_ =	strace s17  }
0x93: {  	s2 =	sld [smem:$0x3FFC];
	_ =	sdelay $0x3  }
0x94: {  	_ =	strace s2  }
0x95: {  	s2 =	sld [smem:$0x3FFD];
	_ =	sdelay $0x3  }
0x96: {  	_ =	strace s2  }
0x97: {  	_ =	strace $0x8FFFFFFF  }
0x98: {  	s18 =	sld [smem:$0x3FDB];
	_ =	sdelay $0x1  }
0x99: {  	s19 =	simm.s32 $_scs_section_size  }
0x9a: {  	s4 =	simm.s32 $_size__tile_overlayer_lowered;
	s5 =	simm.s32 $_tile_overlayer_lowered  }
0x9b: {  	s22 =	simm.s32 $0x1BFF;
	s21 =	sshll.u32 s5, $0x1;
	s2 =	sadd.s32 s19, s18  }
0x9c: {  	s6 =	simm.s32 $0x0;
	s20 =	sshll.u32 s4, $0x1;
	s4 =	sadd.s32 s21, s2  }
0x9d: {  	[timem:s6], [sflag:s22] =	dma.local [hbm:s4], s20  }
0x9e: {  	_ =	swait.ge [sflag:s22], s20  }
0x9f: {  	s3 =	ssub.s32 $0x0, s20;
	[sflag:s22] =	ssyncset.done $0x0  }
0xa0: {  	[sflag:s22] =	ssyncadd.s32 s3;
	_ =	sdelay $0x1  }
0xa1: {  	s23 =	simm.s32 $0x1B8B  }
0xa2: {  	_ =	swait.ge [sflag:s23], $0x1  }
0xa3: {  	[sflag:s23] =	ssyncset.done $0x0  }
0xa4: {  	s25 =	simm.s32 $0x1B8E;
	s24 =	sld [smem:$0x3FFE];
	[sflag:s23] =	ssyncadd.s32 $0xFFFFFFFF  }
0xa5: {  	s26 =	simm.s32 $execute0_lowered;
	[smem:$0x3FD2] =	sst s25  }
0xa6: {  	s4 =	sshll.u32 s26, $0x1;
	_ =	strace $0x80000046;
	[dreg:$0x1] =	wrdreg $0xFFFFFFFF  }
0xa7: {  	s28 =	simm.s32 $_size_execute0_lowered;
	s2 =	sadd.s32 s2, s4;
	[dreg:$0x0] =	wrdreg $0x0  }
0xa8: {  	s4 =	sshll.u32 s28, $0x1;
	[dreg:$0x2] =	wrdreg s2  }
0xa9: {  	[dreg:$0x3] =	wrdreg s4  }
0xaa: {  	[dreg:$0x4] =	wrdreg $0xC0  }
0xab: {  	_ =	task [dreg:s6], $0x5FFFF  }
0xac: {  	[dreg:$0x1] =	wrdreg $0xFFFFFFFF  }
0xad: {  	[dreg:$0x0] =	wrdreg $0x60  }
0xae: {  	[dreg:$0x2] =	wrdreg s24  }
0xaf: {  	[dreg:$0x3] =	wrdreg $0x68000  }
0xb0: {  	[dreg:$0x4] =	wrdreg $0x9  }
0xb1: {  	_ =	task.clear_ibuf [dreg:s6], $0x5FFFF;
	_ =	strace $0x90000046  }
0xb2: {  	s29 =	simm.s32 $0x9;
	_ =	strace $0x80000048  }
0xb3: {  	_ =	swait.ge [sflag:s29], $0x1  }
0xb4: {  	[sflag:s29] =	ssyncadd.s32 $0xFFFFFFFF  }
0xb5: {  	_ =	strace $0x90000048  }
0xb6: {  	_ =	sfence  }
0xb7: {  	s30 =	sld [smem:$0x0];
	_ =	sdelay $0x2  }
0xb8: {  	s31 =	sshll.u32 s1, $0xD;
	s1 =	sshrl.u32 s1, $0x2  }
0xb9: {  	s3 =	sand.u32 $0x4000, s31;
	s1 =	sadd.s32 s1, s30  }
0xba: {  	s0 =	sor.u32 s3, s0;
	s1 =	sshll.u32 s1, $0x11  }
0xbb: {  	s0 =	sor.u32 s1, s0  }
0xbc: {  	s0 =	sadd.s32 $0x8F2B, s0  }
0xbd: {  	[sflag:s0] =	ssyncadd.remote.s32 $0x1  }
0xbe: {  	_ =	sfence.sel $0xFFFF  }
0xbf: {  	[dreg:$0x0] =	wrdreg $0xFFFFFFFF;
	(pc) =	sbr.abs _section_cstart, $3  }
0xc0: {  	[dreg:$0x1] =	wrdreg $0xFFFFFFFF  }
0xc1: {  	_ =	task.clear_ibuf [dreg:s6], $0x2FFFF;
	_ =	strace $0x9FFFFFFF  }
0xc2: {  	(tm) =	ssettm $0x7FFFFFFF  }
0xc3: {  	_ =	shalt  }
tec
execute0_lowered:
.L_overlay_start_1:
0x0: {  	(tag) =	ssettag $0x1  }
0x1: {  	s1 =	srdreg.scid;
	s5 =	rddreg [dreg:$0x0]  }
0x2: {  	s0 =	stileid.u32;
	s2 =	rddreg [dreg:$0x1];
	s3 =	simm.s32 $0x0  }
0x3: {  	s14 =	simm.s32 $0x0;
	s4 =	sand.u32 $0x1, s1;
	s1 =	rddreg [dreg:$0x2]  }
0x4: {  	s25 =	sshll.u32 s0, $0x1;
	s7 =	smul.u32 $0x14000, s0;
	[smem:$0x7FF] =	sst s3  }
0x5: {  	s29 =	smul.u32 $0x50000, s0;
	s31 =	sshll.u32 s0, $0x6;
	s6 =	sor.u32 s4, s25  }
0x6: {  	s9 =	smul.u32 $0x140000, s4;
	_ =	strace $0x80000047;
	s28 =	ssub.s32 $0x2, s4  }
0x7: {  	s4 =	sadd.s32 $0x37000, s5;
	s6 =	smul.u32 $0x500, s6;
	s8 =	sshrl.u32 s7, $0x3  }
0x8: {  	s11 =	sshrl.u32 s28, $0x1;
	s30 =	sshrl.u32 s29, $0x2;
	s26 =	sadd.s32 s8, s5  }
0x9: {  	s7 =	sadd.s32 s7, s9;
	s11 =	ssub.s32 s28, s11;
	s13 =	sadd.s32 s30, s2  }
0xa: {  	s10 =	sadd.s32 s6, s5;
	s7 =	sshrl.u32 s7, $0x3;
	s6 =	sor.u32 $0x1C01, s31  }
0xb: {  	s9 =	smax.u32 s11, $0x1;
	s11 =	simm.s32 $0x1;
	s12 =	sadd.s32 s7, s5  }
0xc: {  	s5 =	sadd.s32 $0xF000, s26;
	s7 =	sadd.s32 $0x5000, s10;
	s10 =	sshrl.u32 s13, $0x3  }
0xd: {  	s13 =	simm.s32 $0x80;
	s8 =	sadd.s32 $0x37800, s12;
	s12 =	simm.s32 $0x2800  }
.LBB2_1:
0xe: {  	[spmem:s10], [sflag:s6] =	dma.local [hbm:s5], $0x2800  }
0xf: {  	_ =	swait.ge [sflag:s11], $0x2800  }
0x10: {  	[sflag:s11] =	ssyncset.done $0x0  }
0x11: {  	[sflag:s11] =	ssyncadd.s32 $0xFFFFD800  }
0x12: {  	[tilespmem:s3], [sflag:$0x1] =	stream.linear.gather [hbm4b:s7+s3], $0x2800, $0x38;
	[tilespmem:$0x1A800] =	vst v63  }
0x13: {  	_ =	swait.ge [sflag:s11], $0x2800  }
0x14: {  	[sflag:s11] =	ssyncset.done $0x0  }
0x15: {  	[sflag:s11] =	ssyncadd.s32 $0xFFFFD800  }
0x16: {  	[tilespmem:s12], [sflag:$0x1] =	stream.linear.gather [hbm4b:s4+s3], $0x4000, $0x38;
	[tilespmem:$0x1A800] =	vst v63  }
0x17: {  	_ =	swait.ge [sflag:s11], $0x4000  }
0x18: {  	[sflag:s11] =	ssyncset.done $0x0  }
0x19: {  	[sflag:s11] =	ssyncadd.s32 $0xFFFFC000  }
0x1a: {  	s15 =	simm.s32 $0x0;
	[bflag:$0x0] =	sbarrier.arrive $0xFFFF  }
0x1b: {  	[spmem:s2] =	stream.indirect.scatter.add.f32 [tilespmem:s12], [sflag:$0x1], $0x80, s15, s13, $0xb8;
	[tilespmem:$0x1A800] =	vst v63  }
0x1c: {  	_ =	swait.ge [sflag:s11], $0x4000  }
0x1d: {  	s15 =	simm.s32 $0x200;
	[sflag:s11] =	ssyncset.done $0x0  }
.LBB2_2:
0x1e: {  	s16 =	sshra.s32 s15, $0x2;
	[sflag:s11] =	ssyncadd.s32 $0xFFFFC000;
	p0 =	sne.s32 s15, $0x9E00  }
0x1f: {  	[spmem:s2] =	stream.indirect.scatter.add.f32 [tilespmem:s12], [sflag:$0x1], $0x80, s16, s13, $0xb8;
	[tilespmem:$0x1A800] =	vst v63  }
.Ltmp0:
0x20: {  	_ = 	snop;
	(pc) =	sbr.rel @p0 .LBB2_2-.Ltmp0, $4  }
0x21: {  	_ = 	snop  }
0x22: {  	s15 =	sadd.s32 $0x200, s15  }
0x23: {  	_ =	swait.ge [sflag:s11], $0x4000  }
0x24: {  	[sflag:s11] =	ssyncset.done $0x0  }
0x25: {  	s14 =	sadd.s32 $0x1, s14  }
0x26: {  	[sflag:s11] =	ssyncadd.s32 $0xFFFFC000;
	p0 =	sne.s32 s14, s9  }
.Ltmp1:
0x27: {  	[bflag:$0x0] =	sbarrier.arrive $0xFFFF;
	(pc) =	sbr.rel @p0 .LBB2_1-.Ltmp1, $4  }
0x28: {  	[hbm:s8], [sflag:s6] =	dma.local [spmem:s10], $0x2800  }
0x29: {  	_ =	swait.ge [sflag:s11], $0x2800  }
0x2a: {  	[sflag:s11] =	ssyncset.done $0x0  }
0x2b: {  	[sflag:s11] =	ssyncadd.s32 $0xFFFFD800  }
0x2c: {  	_ =	sfence.sel $0x180000  }
0x2d: {  	[bflag:$0x0] =	sbarrier.arrive $0xFFFF  }
0x2e: {  	p0 =	sne.s32 s0, $0x0;
	_ =	strace $0x90000047  }
0x2f: {  	s0 =	sadd.s32 @!p0 $0x100000, s1;
	[bflag:$0x2] =	sbarrier.arrive $0xFFFF  }
0x30: {  	[sflag:s0] =	ssyncadd.tile.s32 @!p0 $0x1;
	_ =	shalt  }
.Lfunc_end2:
_tile_overlayer_lowered:
.L_overlay_start_2:
0x31: {  	(tag) =	ssettag $0x2  }
0x32: {  	s0 =	rddreg [dreg:$0x0];
	s2 =	stileid.u32  }
0x33: {  	s1 =	rddreg [dreg:$0x1];
	p0 =	sne.s32 s2, $0x0  }
0x34: {  	s3 =	rddreg [dreg:$0x2];
	[bflag:$0x3] =	sbarrier.arrive $0xFFFF;
	s2 =	simm.s32 @!p0 $0x1C01  }
0x35: {  	[timem:s3], [sflag:s2] =	dma.local @!p0 [hbm:s0], s1  }
0x36: {  	s0 =	simm.s32 @!p0 $0x1  }
0x37: {  	_ =	swait.ge @!p0 [sflag:s0], s1  }
0x38: {  	s1 =	ssub.s32 @!p0 $0x0, s1;
	[sflag:s0] =	ssyncset.done @!p0 $0x0  }
0x39: {  	[sflag:s0] =	ssyncadd.s32 @!p0 s1  }
0x3a: {  	[bflag:$0x3] =	sbarrier.arrive $0xFFFF  }
0x3b: {  	_ =	shalt  }

// kernel: kernel.18.cloned.1.call-start
scs
__scs_entry_jumppad:
0x0: {  	(pc) =	sbr.rel $0x88, $3  }
0x1: {  	(tag) =	ssettag $0x0;
	lr =	simm.s32 $0x1  }
0x2: {  	[smem:$0x3F91] =	sst lr;
	_ =	strace $0xD0000000  }
0x3: {  	_ = 	snop  }
0x4: {  	_ = 	snop  }
0x5: {  	_ = 	snop  }
0x6: {  	_ = 	snop  }
0x7: {  	_ = 	snop  }
__scs_overlays_trampoline_lowered:
0x8: {  	[smem:$0x3FA0] =	sst s0  }
0x9: {  	[smem:$0x3FA1] =	sst s1  }
0xa: {  	[smem:$0x3FA2] =	sst s2  }
0xb: {  	[smem:$0x3FA3] =	sst s3  }
0xc: {  	[smem:$0x3FA4] =	sst s4  }
0xd: {  	[smem:$0x3FA5] =	sst s5  }
0xe: {  	[smem:$0x3FA6] =	sst s6  }
0xf: {  	[smem:$0x3FA7] =	sst s7  }
0x10: {  	[smem:$0x3FA8] =	sst s8  }
0x11: {  	[smem:$0x3FA9] =	sst s9;
	s0 =	simm.s32 @!p0 $0x0  }
0x12: {  	s1 =	sld [smem:$0x3F8F];
	s0 =	simm.s32 @p0 $0x1  }
0x13: {  	[smem:$0x3FAA] =	sst s0;
	s0 =	simm.s32 @!p1 $0x0  }
0x14: {  	s2 =	sld [smem:$0x3F8E];
	s0 =	simm.s32 @p1 $0x1  }
0x15: {  	[smem:$0x3FAB] =	sst s0;
	s0 =	simm.s32 @!p2 $0x0  }
0x16: {  	s3 =	sld [smem:$0x3FDB];
	s0 =	simm.s32 @p2 $0x1  }
0x17: {  	s4 =	simm.s32 $0x1BF5;
	[smem:$0x3FAD] =	sst s0  }
0x18: {  	s0 =	sld [smem:$0x3F90];
	_ =	swait.ge [sflag:s4], $0x0  }
0x19: {  	s7 =	sld [smem:$0x3F91]  }
0x1a: {  	s8 =	sadd.s32 $0xFFFFE003, lr  }
0x1b: {  	s9 =	sadd.s32 $0xFFFFFEF7, lr;
	s5 =	simm.s32 $0xFFFFFFFF;
	p2 =	slt.u32 s8, $0xFFFFF086  }
0x1c: {  	p1 =	slt.u32 s9, $0xF7A;
	s5 =	simm.s32 @!p2 $0x0  }
0x1d: {  	s5 =	simm.s32 @p1 $0x1;
	p0 =	seq.s32 s7, s2  }
0x1e: {  	s7 =	smul.u32 @!p0 $0xF7A, s2;
	p2 =	seq.s32 @!p0 s5, $0x0  }
0x1f: {  	s9 =	smul.u32 $0xF7A, s1;
	s8 =	simm.s32 @!p0 $0x1BF5;
	p2 =	por !p2, p0  }
0x20: {  	[sflag:s8] =	ssyncset.s32 @!p0 $0xFFFFF086;
	s6 =	sadd.s32 @!p0 s3, s7;
	s7 =	simm.s32 @!p0 $0x108  }
0x21: {  	s3 =	sadd.s32 s3, s9;
	s6 =	sadd.s32 @!p0 $0x88, s6;
	s7 =	simm.s32 @p2 $0x1082  }
0x22: {  	[simem:s7], [sflag:s8] =	dma.local @!p0 [hbm:s6], $0xF7A  }
0x23: {  	s9 =	sor.u32 $0xD0000000, s2;
	s6 =	simm.s32 $0x108;
	_ =	swait.ge @!p0 [sflag:s8], $0x0  }
0x24: {  	s3 =	sadd.s32 $0x88, s3;
	s6 =	simm.s32 @!p1 $0x1082;
	[sflag:s4] =	ssyncset.s32 $0xFFFFF086  }
0x25: {  	[simem:s6], [sflag:s4] =	dma.local [hbm:s3], $0xF7A  }
0x26: {  	[smem:$0x3F91] =	sst s1;
	(tag) =	ssettag s2;
	_ =	strace s9  }
0x27: {  	s1 =	sld [smem:$0x3FA1]  }
0x28: {  	s2 =	sld [smem:$0x3FA2]  }
0x29: {  	s4 =	sld [smem:$0x3FA4]  }
0x2a: {  	p0 =	seq.s32 s5, $0x0;
	s5 =	sld [smem:$0x3FA5]  }
0x2b: {  	s6 =	sld [smem:$0x3FA6]  }
0x2c: {  	s7 =	sld [smem:$0x3FA7]  }
0x2d: {  	s3 =	simm.s32 $0x108;
	s8 =	sld [smem:$0x3FA8]  }
0x2e: {  	s3 =	simm.s32 @!p0 $0x1082;
	s9 =	sld [smem:$0x3FA9]  }
0x2f: {  	lr =	sadd.s32 s0, s3;
	s0 =	sld [smem:$0x3FA0]  }
0x30: {  	s3 =	sld [smem:$0x3FA3]  }
0x31: {  	[smem:$0x3FAC] =	sst s10  }
0x32: {  	s10 =	sld [smem:$0x3FAA];
	_ =	sdelay $0x3  }
0x33: {  	p0 =	seq.s32 s10, $0x1;
	s10 =	sld [smem:$0x3FAC];
	_ =	sdelay $0x3  }
0x34: {  	[smem:$0x3FAC] =	sst s10  }
0x35: {  	s10 =	sld [smem:$0x3FAB];
	_ =	sdelay $0x3  }
0x36: {  	p1 =	seq.s32 s10, $0x1;
	s10 =	sld [smem:$0x3FAC];
	_ =	sdelay $0x3  }
0x37: {  	[smem:$0x3FAC] =	sst s10  }
0x38: {  	s10 =	sld [smem:$0x3FAD]  }
0x39: {  	_ = 	snop;
	(pc) =	sbr.ind lr, $3  }
0x3a: {  	_ = 	snop  }
0x3b: {  	_ = 	snop  }
0x3c: {  	p2 =	seq.s32 s10, $0x1;
	s10 =	sld [smem:$0x3FAC]  }
0x3d: {  	_ =	shalt  }
0x3e: {  	_ =	shalt  }
0x3f: {  	_ =	shalt  }
0x40: {  	_ =	shalt  }
0x41: {  	_ =	shalt  }
0x42: {  	_ =	shalt  }
0x43: {  	_ =	shalt  }
0x44: {  	_ =	shalt  }
0x45: {  	_ =	shalt  }
0x46: {  	_ =	shalt  }
0x47: {  	_ =	shalt  }
0x48: {  	_ =	shalt  }
0x49: {  	_ =	shalt  }
0x4a: {  	_ =	shalt  }
0x4b: {  	_ =	shalt  }
0x4c: {  	_ =	shalt  }
0x4d: {  	_ =	shalt  }
0x4e: {  	_ =	shalt  }
0x4f: {  	_ =	shalt  }
0x50: {  	_ =	shalt  }
0x51: {  	_ =	shalt  }
0x52: {  	_ =	shalt  }
0x53: {  	_ =	shalt  }
0x54: {  	_ =	shalt  }
0x55: {  	_ =	shalt  }
0x56: {  	_ =	shalt  }
0x57: {  	_ =	shalt  }
0x58: {  	_ =	shalt  }
0x59: {  	_ =	shalt  }
0x5a: {  	_ =	shalt  }
0x5b: {  	_ =	shalt  }
0x5c: {  	_ =	shalt  }
0x5d: {  	_ =	shalt  }
0x5e: {  	_ =	shalt  }
0x5f: {  	_ =	shalt  }
0x60: {  	_ =	shalt  }
0x61: {  	_ =	shalt  }
0x62: {  	_ =	shalt  }
0x63: {  	_ =	shalt  }
0x64: {  	_ =	shalt  }
0x65: {  	_ =	shalt  }
0x66: {  	_ =	shalt  }
0x67: {  	_ =	shalt  }
0x68: {  	_ =	shalt  }
0x69: {  	_ =	shalt  }
0x6a: {  	_ =	shalt  }
0x6b: {  	_ =	shalt  }
0x6c: {  	_ =	shalt  }
0x6d: {  	_ =	shalt  }
0x6e: {  	_ =	shalt  }
0x6f: {  	_ =	shalt  }
0x70: {  	_ =	shalt  }
0x71: {  	_ =	shalt  }
0x72: {  	_ =	shalt  }
0x73: {  	_ =	shalt  }
0x74: {  	_ =	shalt  }
0x75: {  	_ =	shalt  }
0x76: {  	_ =	shalt  }
0x77: {  	_ =	shalt  }
0x78: {  	_ =	shalt  }
0x79: {  	_ =	shalt  }
0x7a: {  	_ =	shalt  }
0x7b: {  	_ =	shalt  }
0x7c: {  	_ =	shalt  }
0x7d: {  	_ =	shalt  }
0x7e: {  	_ =	shalt  }
0x7f: {  	_ =	shalt  }
0x80: {  	_ =	shalt  }
0x81: {  	_ =	shalt  }
0x82: {  	_ =	shalt  }
0x83: {  	_ =	shalt  }
0x84: {  	_ =	shalt  }
0x85: {  	_ =	shalt  }
0x86: {  	_ =	shalt  }
0x87: {  	_ =	shalt  }
.Lfunc_end0:
.L_simem_size_0:
called_computation.1_lowered:
.L_overlay_start_0:
0x88: {  	s2 =	sld [smem:$0x3FD9]  }
0x89: {  	s3 =	sld [smem:$0x3FFE];
	_ =	sdelay $0x1  }
0x8a: {  	s1 =	srdreg.scid  }
0x8b: {  	s0 =	sand.u32 $0x1, s1  }
0x8c: {  	s17 =	sshll.u32 s0, $0xA;
	s2 =	sadd.s32 s3, s2  }
0x8d: {  	s2 =	sadd.s32 s2, s17  }
0x8e: {  	[smem:$0x3FB8] =	sst s2  }
0x8f: {  	_ = 	snop  }
0x90: {  	s2 =	sld [smem:$0x3FD0];
	(tm) =	ssettm $0x1  }
0x91: {  	s18 =	sld [smem:$0x3FFB];
	_ =	sdelay $0x3  }
0x92: {  	_ =	strace s18  }
0x93: {  	s3 =	sld [smem:$0x3FFC];
	_ =	sdelay $0x3  }
0x94: {  	_ =	strace s3  }
0x95: {  	s3 =	sld [smem:$0x3FFD];
	_ =	sdelay $0x3  }
0x96: {  	_ =	strace s3  }
0x97: {  	_ =	strace $0x8FFFFFFF  }
0x98: {  	s19 =	sld [smem:$0x3FDB];
	_ =	sdelay $0x1  }
0x99: {  	s4 =	simm.s32 $_scs_section_size  }
0x9a: {  	s5 =	simm.s32 $_size__tile_overlayer_lowered;
	s6 =	simm.s32 $_tile_overlayer_lowered  }
0x9b: {  	s22 =	simm.s32 $0x1BFF;
	s21 =	sshll.u32 s6, $0x1;
	s3 =	sadd.s32 s4, s19  }
0x9c: {  	s7 =	simm.s32 $0x0;
	s20 =	sshll.u32 s5, $0x1;
	s5 =	sadd.s32 s21, s3  }
0x9d: {  	[timem:s7], [sflag:s22] =	dma.local [hbm:s5], s20  }
0x9e: {  	_ =	swait.ge [sflag:s22], s20  }
0x9f: {  	s4 =	ssub.s32 $0x0, s20;
	[sflag:s22] =	ssyncset.done $0x0  }
0xa0: {  	[sflag:s22] =	ssyncadd.s32 s4;
	_ =	sdelay $0x1  }
0xa1: {  	s23 =	simm.s32 $0x1B8B  }
0xa2: {  	_ =	swait.ge [sflag:s23], $0x1  }
0xa3: {  	[sflag:s23] =	ssyncset.done $0x0  }
0xa4: {  	s25 =	simm.s32 $0x1B8E;
	s24 =	sld [smem:$0x3FFE];
	[sflag:s23] =	ssyncadd.s32 $0xFFFFFFFF  }
0xa5: {  	s26 =	simm.s32 $execute0_lowered;
	[smem:$0x3FD2] =	sst s25  }
0xa6: {  	s5 =	sshll.u32 s26, $0x1;
	_ =	strace $0x80000049;
	[dreg:$0x1] =	wrdreg $0xFFFFFFFF  }
0xa7: {  	s28 =	simm.s32 $_size_execute0_lowered;
	s3 =	sadd.s32 s3, s5;
	[dreg:$0x0] =	wrdreg $0x0  }
0xa8: {  	s5 =	sshll.u32 s28, $0x1;
	[dreg:$0x2] =	wrdreg s3  }
0xa9: {  	[dreg:$0x3] =	wrdreg s5  }
0xaa: {  	[dreg:$0x4] =	wrdreg $0xC0  }
0xab: {  	_ =	task [dreg:s7], $0x5FFFF  }
0xac: {  	[dreg:$0x1] =	wrdreg $0xFFFFFFFF  }
0xad: {  	[dreg:$0x0] =	wrdreg $0x60  }
0xae: {  	[dreg:$0x2] =	wrdreg s24  }
0xaf: {  	[dreg:$0x3] =	wrdreg s2  }
0xb0: {  	[dreg:$0x4] =	wrdreg $0x90000  }
0xb1: {  	[dreg:$0x5] =	wrdreg $0x9  }
0xb2: {  	_ =	task.clear_ibuf [dreg:s7], $0x6FFFF;
	_ =	strace $0x90000049  }
0xb3: {  	s29 =	simm.s32 $0x9;
	_ =	strace $0x8000004B  }
0xb4: {  	_ =	swait.ge [sflag:s29], $0x1  }
0xb5: {  	[sflag:s29] =	ssyncadd.s32 $0xFFFFFFFF  }
0xb6: {  	_ =	strace $0x9000004B  }
0xb7: {  	_ =	sfence  }
0xb8: {  	s30 =	sld [smem:$0x0];
	_ =	sdelay $0x2  }
0xb9: {  	s31 =	sshll.u32 s1, $0xD;
	s1 =	sshrl.u32 s1, $0x2  }
0xba: {  	s3 =	sand.u32 $0x4000, s31;
	s1 =	sadd.s32 s1, s30  }
0xbb: {  	s0 =	sor.u32 s3, s0;
	s1 =	sshll.u32 s1, $0x11  }
0xbc: {  	s0 =	sor.u32 s1, s0  }
0xbd: {  	s0 =	sadd.s32 $0x8F2B, s0  }
0xbe: {  	[sflag:s0] =	ssyncadd.remote.s32 $0x1  }
0xbf: {  	_ =	sfence.sel $0xFFFF  }
0xc0: {  	[dreg:$0x0] =	wrdreg $0xFFFFFFFF;
	(pc) =	sbr.abs _section_cstart, $3  }
0xc1: {  	[dreg:$0x1] =	wrdreg $0xFFFFFFFF  }
0xc2: {  	_ =	task.clear_ibuf [dreg:s7], $0x2FFFF;
	_ =	strace $0x9FFFFFFF  }
0xc3: {  	(tm) =	ssettm $0x7FFFFFFF  }
tec
execute0_lowered:
.L_overlay_start_1:
0x0: {  	(tag) =	ssettag $0x1  }
0x1: {  	s5 =	rddreg [dreg:$0x0]  }
0x2: {  	s1 =	srdreg.scid;
	s7 =	rddreg [dreg:$0x1]  }
0x3: {  	s0 =	stileid.u32;
	s2 =	rddreg [dreg:$0x2];
	s3 =	simm.s32 $0x0  }
0x4: {  	s15 =	simm.s32 $0x5000;
	s16 =	simm.s32 $0x1;
	s17 =	simm.s32 $0x0  }
0x5: {  	s6 =	sand.u32 $0x1, s1;
	s1 =	rddreg [dreg:$0x3];
	s9 =	smul.u32 $0x14000, s0  }
0x6: {  	s28 =	sshll.u32 s0, $0x1;
	[smem:$0x7FF] =	sst s3;
	s29 =	smul.u32 $0x50000, s0  }
0x7: {  	s31 =	sshll.u32 s0, $0x6;
	s4 =	sor.u32 s6, s28;
	s10 =	smul.u32 $0x140000, s6  }
0x8: {  	_ =	strace $0x8000004A;
	s6 =	ssub.s32 $0x2, s6;
	s8 =	smul.u32 $0x500, s4  }
0x9: {  	s4 =	sadd.s32 $0x37000, s5;
	s12 =	sshrl.u32 s9, $0x3;
	s13 =	sshrl.u32 s6, $0x1  }
0xa: {  	s30 =	sshrl.u32 s29, $0x2;
	s9 =	sadd.s32 s9, s10;
	s12 =	sadd.s32 s12, s5  }
0xb: {  	s13 =	ssub.s32 s6, s13;
	s14 =	sadd.s32 s30, s2;
	s6 =	sor.u32 $0x1C02, s31  }
0xc: {  	s11 =	sadd.s32 s8, s5;
	s9 =	sshrl.u32 s9, $0x3;
	s7 =	sadd.s32 s7, s8  }
0xd: {  	s10 =	smax.u32 s13, $0x1;
	s13 =	simm.s32 $0x2800;
	s9 =	sadd.s32 s9, s5  }
0xe: {  	s5 =	sadd.s32 $0xF000, s12;
	s8 =	sadd.s32 $0x5000, s11;
	s11 =	sshrl.u32 s14, $0x3  }
0xf: {  	s12 =	simm.s32 $0x2;
	s14 =	simm.s32 $0x80;
	s9 =	sadd.s32 $0x5F000, s9  }
.LBB2_1:
0x10: {  	[spmem:s11], [sflag:s6] =	dma.local [hbm:s5], $0x2800  }
0x11: {  	_ =	swait.ge [sflag:s12], $0x2800  }
0x12: {  	[sflag:s12] =	ssyncset.done $0x0  }
0x13: {  	[sflag:s12] =	ssyncadd.s32 $0xFFFFD800  }
0x14: {  	[tilespmem:s3], [sflag:$0x2] =	stream.linear.gather [hbm4b:s7+s3], $0x2800, $0x38;
	[tilespmem:$0x1D000] =	vst v63  }
0x15: {  	_ =	swait.ge [sflag:s12], $0x2800  }
0x16: {  	[sflag:s12] =	ssyncset.done $0x0  }
0x17: {  	[sflag:s12] =	ssyncadd.s32 $0xFFFFD800  }
0x18: {  	[tilespmem:s13], [sflag:$0x2] =	stream.linear.gather [hbm4b:s8+s3], $0x2800, $0x38;
	[tilespmem:$0x1D000] =	vst v63  }
0x19: {  	_ =	swait.ge [sflag:s12], $0x2800  }
0x1a: {  	[sflag:s12] =	ssyncset.done $0x0  }
0x1b: {  	[sflag:s12] =	ssyncadd.s32 $0xFFFFD800  }
0x1c: {  	s18 =	simm.s32 $0x0;
	[bflag:$0x0] =	sbarrier.arrive $0xFFFF  }
0x1d: {  	[tilespmem:s15], [sflag:$0x1] =	stream.indirect.gather [hbm4b:s4+s14], $0x80, s18, s14, $0xb8;
	[tilespmem:$0x1D000] =	vst v63  }
0x1e: {  	_ =	swait.ge [sflag:s16], $0x4000  }
0x1f: {  	[sflag:s16] =	ssyncset.done $0x0  }
0x20: {  	s31 =	simm.s32 $0x2800;
	[sflag:s16] =	ssyncadd.s32 $0xFFFFC000  }
0x21: {  	[spmem:s2] =	stream.indirect.scatter.add.f32 [tilespmem:s15], [sflag:$0x2], $0x80, s31, s14, $0xb8;
	[tilespmem:$0x1D000] =	vst v63  }
0x22: {  	_ =	swait.ge [sflag:s12], $0x4000  }
0x23: {  	s19 =	simm.s32 $0x400;
	s18 =	simm.s32 $0x200;
	[sflag:s12] =	ssyncset.done $0x0  }
.LBB2_2:
0x24: {  	s20 =	sshra.s32 s18, $0x2  }
0x25: {  	[sflag:s12] =	ssyncadd.s32 $0xFFFFC000;
	s18 =	smov.u32 s19;
	s21 =	sadd.s32 $0x200, s19  }
0x26: {  	[tilespmem:s15], [sflag:$0x1] =	stream.indirect.gather [hbm4b:s4+s14], $0x80, s20, s14, $0xb8;
	[tilespmem:$0x1D000] =	vst v63  }
0x27: {  	p0 =	sne.s32 s19, $0x9E00;
	_ =	swait.ge [sflag:s16], $0x4000  }
.Ltmp0:
0x28: {  	[sflag:s16] =	ssyncset.done $0x0;
	(pc) =	sbr.rel @p0 .LBB2_2-.Ltmp0, $4  }
0x29: {  	s19 =	sadd.s32 $0x2800, s20;
	[sflag:s16] =	ssyncadd.s32 $0xFFFFC000  }
0x2a: {  	[spmem:s2] =	stream.indirect.scatter.add.f32 [tilespmem:s15], [sflag:$0x2], $0x80, s19, s14, $0xb8;
	[tilespmem:$0x1D000] =	vst v63  }
0x2b: {  	_ =	swait.ge [sflag:s12], $0x4000  }
0x2c: {  	s19 =	smov.u32 s21;
	[sflag:s12] =	ssyncset.done $0x0  }
0x2d: {  	s18 =	sshra.s32 s18, $0x2;
	[sflag:s12] =	ssyncadd.s32 $0xFFFFC000  }
0x2e: {  	[tilespmem:s15], [sflag:$0x1] =	stream.indirect.gather [hbm4b:s4+s14], $0x80, s18, s14, $0xb8;
	[tilespmem:$0x1D000] =	vst v63  }
0x2f: {  	_ =	swait.ge [sflag:s16], $0x4000  }
0x30: {  	[sflag:s16] =	ssyncset.done $0x0  }
0x31: {  	s18 =	sadd.s32 $0x2800, s18;
	[sflag:s16] =	ssyncadd.s32 $0xFFFFC000  }
0x32: {  	[spmem:s2] =	stream.indirect.scatter.add.f32 [tilespmem:s15], [sflag:$0x2], $0x80, s18, s14, $0xb8;
	[tilespmem:$0x1D000] =	vst v63  }
0x33: {  	_ =	swait.ge [sflag:s12], $0x4000  }
0x34: {  	s17 =	sadd.s32 $0x1, s17;
	[sflag:s12] =	ssyncset.done $0x0  }
0x35: {  	p0 =	sne.s32 s17, s10;
	[sflag:s12] =	ssyncadd.s32 $0xFFFFC000  }
.Ltmp1:
0x36: {  	[bflag:$0x0] =	sbarrier.arrive $0xFFFF;
	(pc) =	sbr.rel @p0 .LBB2_1-.Ltmp1, $4  }
0x37: {  	[hbm:s9], [sflag:s6] =	dma.local [spmem:s11], $0x2800  }
0x38: {  	_ =	swait.ge [sflag:s12], $0x2800  }
0x39: {  	[sflag:s12] =	ssyncset.done $0x0  }
0x3a: {  	[sflag:s12] =	ssyncadd.s32 $0xFFFFD800  }
0x3b: {  	_ =	sfence.sel $0x180000  }
0x3c: {  	[bflag:$0x0] =	sbarrier.arrive $0xFFFF  }
0x3d: {  	p0 =	sne.s32 s0, $0x0;
	_ =	strace $0x9000004A  }
0x3e: {  	s0 =	sadd.s32 @!p0 $0x100000, s1;
	[bflag:$0x2] =	sbarrier.arrive $0xFFFF  }
0x3f: {  	[sflag:s0] =	ssyncadd.tile.s32 @!p0 $0x1;
	_ =	shalt  }
.Lfunc_end2:
_tile_overlayer_lowered:
.L_overlay_start_2:
0x40: {  	(tag) =	ssettag $0x2  }
0x41: {  	s0 =	rddreg [dreg:$0x0];
	s2 =	stileid.u32  }
0x42: {  	s1 =	rddreg [dreg:$0x1];
	p0 =	sne.s32 s2, $0x0  }
0x43: {  	s3 =	rddreg [dreg:$0x2];
	[bflag:$0x3] =	sbarrier.arrive $0xFFFF;
	s2 =	simm.s32 @!p0 $0x1C02  }
0x44: {  	[timem:s3], [sflag:s2] =	dma.local @!p0 [hbm:s0], s1  }
0x45: {  	s0 =	simm.s32 @!p0 $0x2  }
0x46: {  	_ =	swait.ge @!p0 [sflag:s0], s1  }
0x47: {  	s1 =	ssub.s32 @!p0 $0x0, s1;
	[sflag:s0] =	ssyncset.done @!p0 $0x0  }
0x48: {  	[sflag:s0] =	ssyncadd.s32 @!p0 s1  }
0x49: {  	[bflag:$0x3] =	sbarrier.arrive $0xFFFF  }
0x4a: {  	_ =	shalt  }

// kernel: kernel.21.cloned.1.call-start
scs
__scs_entry_jumppad:
0x0: {  	(pc) =	sbr.rel $0x88, $3  }
0x1: {  	(tag) =	ssettag $0x0;
	lr =	simm.s32 $0x1  }
0x2: {  	[smem:$0x3F91] =	sst lr;
	_ =	strace $0xD0000000  }
0x3: {  	_ = 	snop  }
0x4: {  	_ = 	snop  }
0x5: {  	_ = 	snop  }
0x6: {  	_ = 	snop  }
0x7: {  	_ = 	snop  }
__scs_overlays_trampoline_lowered:
0x8: {  	[smem:$0x3FA0] =	sst s0  }
0x9: {  	[smem:$0x3FA1] =	sst s1  }
0xa: {  	[smem:$0x3FA2] =	sst s2  }
0xb: {  	[smem:$0x3FA3] =	sst s3  }
0xc: {  	[smem:$0x3FA4] =	sst s4  }
0xd: {  	[smem:$0x3FA5] =	sst s5  }
0xe: {  	[smem:$0x3FA6] =	sst s6  }
0xf: {  	[smem:$0x3FA7] =	sst s7  }
0x10: {  	[smem:$0x3FA8] =	sst s8  }
0x11: {  	[smem:$0x3FA9] =	sst s9;
	s0 =	simm.s32 @!p0 $0x0  }
0x12: {  	s1 =	sld [smem:$0x3F8F];
	s0 =	simm.s32 @p0 $0x1  }
0x13: {  	[smem:$0x3FAA] =	sst s0;
	s0 =	simm.s32 @!p1 $0x0  }
0x14: {  	s2 =	sld [smem:$0x3F8E];
	s0 =	simm.s32 @p1 $0x1  }
0x15: {  	[smem:$0x3FAB] =	sst s0;
	s0 =	simm.s32 @!p2 $0x0  }
0x16: {  	s3 =	sld [smem:$0x3FDB];
	s0 =	simm.s32 @p2 $0x1  }
0x17: {  	s4 =	simm.s32 $0x1BF5;
	[smem:$0x3FAD] =	sst s0  }
0x18: {  	s0 =	sld [smem:$0x3F90];
	_ =	swait.ge [sflag:s4], $0x0  }
0x19: {  	s7 =	sld [smem:$0x3F91]  }
0x1a: {  	s8 =	sadd.s32 $0xFFFFE003, lr  }
0x1b: {  	s9 =	sadd.s32 $0xFFFFFEF7, lr;
	s5 =	simm.s32 $0xFFFFFFFF;
	p2 =	slt.u32 s8, $0xFFFFF086  }
0x1c: {  	p1 =	slt.u32 s9, $0xF7A;
	s5 =	simm.s32 @!p2 $0x0  }
0x1d: {  	s5 =	simm.s32 @p1 $0x1;
	p0 =	seq.s32 s7, s2  }
0x1e: {  	s7 =	smul.u32 @!p0 $0xF7A, s2;
	p2 =	seq.s32 @!p0 s5, $0x0  }
0x1f: {  	s9 =	smul.u32 $0xF7A, s1;
	s8 =	simm.s32 @!p0 $0x1BF5;
	p2 =	por !p2, p0  }
0x20: {  	[sflag:s8] =	ssyncset.s32 @!p0 $0xFFFFF086;
	s6 =	sadd.s32 @!p0 s3, s7;
	s7 =	simm.s32 @!p0 $0x108  }
0x21: {  	s3 =	sadd.s32 s3, s9;
	s6 =	sadd.s32 @!p0 $0x88, s6;
	s7 =	simm.s32 @p2 $0x1082  }
0x22: {  	[simem:s7], [sflag:s8] =	dma.local @!p0 [hbm:s6], $0xF7A  }
0x23: {  	s9 =	sor.u32 $0xD0000000, s2;
	s6 =	simm.s32 $0x108;
	_ =	swait.ge @!p0 [sflag:s8], $0x0  }
0x24: {  	s3 =	sadd.s32 $0x88, s3;
	s6 =	simm.s32 @!p1 $0x1082;
	[sflag:s4] =	ssyncset.s32 $0xFFFFF086  }
0x25: {  	[simem:s6], [sflag:s4] =	dma.local [hbm:s3], $0xF7A  }
0x26: {  	[smem:$0x3F91] =	sst s1;
	(tag) =	ssettag s2;
	_ =	strace s9  }
0x27: {  	s1 =	sld [smem:$0x3FA1]  }
0x28: {  	s2 =	sld [smem:$0x3FA2]  }
0x29: {  	s4 =	sld [smem:$0x3FA4]  }
0x2a: {  	p0 =	seq.s32 s5, $0x0;
	s5 =	sld [smem:$0x3FA5]  }
0x2b: {  	s6 =	sld [smem:$0x3FA6]  }
0x2c: {  	s7 =	sld [smem:$0x3FA7]  }
0x2d: {  	s3 =	simm.s32 $0x108;
	s8 =	sld [smem:$0x3FA8]  }
0x2e: {  	s3 =	simm.s32 @!p0 $0x1082;
	s9 =	sld [smem:$0x3FA9]  }
0x2f: {  	lr =	sadd.s32 s0, s3;
	s0 =	sld [smem:$0x3FA0]  }
0x30: {  	s3 =	sld [smem:$0x3FA3]  }
0x31: {  	[smem:$0x3FAC] =	sst s10  }
0x32: {  	s10 =	sld [smem:$0x3FAA];
	_ =	sdelay $0x3  }
0x33: {  	p0 =	seq.s32 s10, $0x1;
	s10 =	sld [smem:$0x3FAC];
	_ =	sdelay $0x3  }
0x34: {  	[smem:$0x3FAC] =	sst s10  }
0x35: {  	s10 =	sld [smem:$0x3FAB];
	_ =	sdelay $0x3  }
0x36: {  	p1 =	seq.s32 s10, $0x1;
	s10 =	sld [smem:$0x3FAC];
	_ =	sdelay $0x3  }
0x37: {  	[smem:$0x3FAC] =	sst s10  }
0x38: {  	s10 =	sld [smem:$0x3FAD]  }
0x39: {  	_ = 	snop;
	(pc) =	sbr.ind lr, $3  }
0x3a: {  	_ = 	snop  }
0x3b: {  	_ = 	snop  }
0x3c: {  	p2 =	seq.s32 s10, $0x1;
	s10 =	sld [smem:$0x3FAC]  }
0x3d: {  	_ =	shalt  }
0x3e: {  	_ =	shalt  }
0x3f: {  	_ =	shalt  }
0x40: {  	_ =	shalt  }
0x41: {  	_ =	shalt  }
0x42: {  	_ =	shalt  }
0x43: {  	_ =	shalt  }
0x44: {  	_ =	shalt  }
0x45: {  	_ =	shalt  }
0x46: {  	_ =	shalt  }
0x47: {  	_ =	shalt  }
0x48: {  	_ =	shalt  }
0x49: {  	_ =	shalt  }
0x4a: {  	_ =	shalt  }
0x4b: {  	_ =	shalt  }
0x4c: {  	_ =	shalt  }
0x4d: {  	_ =	shalt  }
0x4e: {  	_ =	shalt  }
0x4f: {  	_ =	shalt  }
0x50: {  	_ =	shalt  }
0x51: {  	_ =	shalt  }
0x52: {  	_ =	shalt  }
0x53: {  	_ =	shalt  }
0x54: {  	_ =	shalt  }
0x55: {  	_ =	shalt  }
0x56: {  	_ =	shalt  }
0x57: {  	_ =	shalt  }
0x58: {  	_ =	shalt  }
0x59: {  	_ =	shalt  }
0x5a: {  	_ =	shalt  }
0x5b: {  	_ =	shalt  }
0x5c: {  	_ =	shalt  }
0x5d: {  	_ =	shalt  }
0x5e: {  	_ =	shalt  }
0x5f: {  	_ =	shalt  }
0x60: {  	_ =	shalt  }
0x61: {  	_ =	shalt  }
0x62: {  	_ =	shalt  }
0x63: {  	_ =	shalt  }
0x64: {  	_ =	shalt  }
0x65: {  	_ =	shalt  }
0x66: {  	_ =	shalt  }
0x67: {  	_ =	shalt  }
0x68: {  	_ =	shalt  }
0x69: {  	_ =	shalt  }
0x6a: {  	_ =	shalt  }
0x6b: {  	_ =	shalt  }
0x6c: {  	_ =	shalt  }
0x6d: {  	_ =	shalt  }
0x6e: {  	_ =	shalt  }
0x6f: {  	_ =	shalt  }
0x70: {  	_ =	shalt  }
0x71: {  	_ =	shalt  }
0x72: {  	_ =	shalt  }
0x73: {  	_ =	shalt  }
0x74: {  	_ =	shalt  }
0x75: {  	_ =	shalt  }
0x76: {  	_ =	shalt  }
0x77: {  	_ =	shalt  }
0x78: {  	_ =	shalt  }
0x79: {  	_ =	shalt  }
0x7a: {  	_ =	shalt  }
0x7b: {  	_ =	shalt  }
0x7c: {  	_ =	shalt  }
0x7d: {  	_ =	shalt  }
0x7e: {  	_ =	shalt  }
0x7f: {  	_ =	shalt  }
0x80: {  	_ =	shalt  }
0x81: {  	_ =	shalt  }
0x82: {  	_ =	shalt  }
0x83: {  	_ =	shalt  }
0x84: {  	_ =	shalt  }
0x85: {  	_ =	shalt  }
0x86: {  	_ =	shalt  }
0x87: {  	_ =	shalt  }
.Lfunc_end0:
.L_simem_size_0:
called_computation.2_lowered:
.L_overlay_start_0:
0x88: {  	s2 =	sld [smem:$0x3FD9]  }
0x89: {  	s3 =	sld [smem:$0x3FFE];
	_ =	sdelay $0x1  }
0x8a: {  	s1 =	srdreg.scid  }
0x8b: {  	s0 =	sand.u32 $0x1, s1  }
0x8c: {  	s17 =	sshll.u32 s0, $0xA;
	s2 =	sadd.s32 s3, s2  }
0x8d: {  	s2 =	sadd.s32 s2, s17  }
0x8e: {  	[smem:$0x3FB8] =	sst s2  }
0x8f: {  	_ = 	snop  }
0x90: {  	s2 =	sld [smem:$0x3FD0];
	(tm) =	ssettm $0x1  }
0x91: {  	s18 =	sld [smem:$0x3FFB];
	_ =	sdelay $0x3  }
0x92: {  	_ =	strace s18  }
0x93: {  	s3 =	sld [smem:$0x3FFC];
	_ =	sdelay $0x3  }
0x94: {  	_ =	strace s3  }
0x95: {  	s3 =	sld [smem:$0x3FFD];
	_ =	sdelay $0x3  }
0x96: {  	_ =	strace s3  }
0x97: {  	_ =	strace $0x8FFFFFFF  }
0x98: {  	s19 =	sld [smem:$0x3FDB];
	_ =	sdelay $0x1  }
0x99: {  	s4 =	simm.s32 $_scs_section_size  }
0x9a: {  	s5 =	simm.s32 $_size__tile_overlayer_lowered;
	s6 =	simm.s32 $_tile_overlayer_lowered  }
0x9b: {  	s22 =	simm.s32 $0x1BFF;
	s21 =	sshll.u32 s6, $0x1;
	s3 =	sadd.s32 s4, s19  }
0x9c: {  	s7 =	simm.s32 $0x0;
	s20 =	sshll.u32 s5, $0x1;
	s5 =	sadd.s32 s21, s3  }
0x9d: {  	[timem:s7], [sflag:s22] =	dma.local [hbm:s5], s20  }
0x9e: {  	_ =	swait.ge [sflag:s22], s20  }
0x9f: {  	s4 =	ssub.s32 $0x0, s20;
	[sflag:s22] =	ssyncset.done $0x0  }
0xa0: {  	[sflag:s22] =	ssyncadd.s32 s4;
	_ =	sdelay $0x1  }
0xa1: {  	s23 =	simm.s32 $0x1B8B  }
0xa2: {  	_ =	swait.ge [sflag:s23], $0x1  }
0xa3: {  	[sflag:s23] =	ssyncset.done $0x0  }
0xa4: {  	s25 =	simm.s32 $0x1B8E;
	s24 =	sld [smem:$0x3FFE];
	[sflag:s23] =	ssyncadd.s32 $0xFFFFFFFF  }
0xa5: {  	s26 =	simm.s32 $execute0_lowered;
	[smem:$0x3FD2] =	sst s25  }
0xa6: {  	s5 =	sshll.u32 s26, $0x1;
	_ =	strace $0x8000004C;
	[dreg:$0x1] =	wrdreg $0xFFFFFFFF  }
0xa7: {  	s28 =	simm.s32 $_size_execute0_lowered;
	s3 =	sadd.s32 s3, s5;
	[dreg:$0x0] =	wrdreg $0x0  }
0xa8: {  	s5 =	sshll.u32 s28, $0x1;
	[dreg:$0x2] =	wrdreg s3  }
0xa9: {  	[dreg:$0x3] =	wrdreg s5  }
0xaa: {  	[dreg:$0x4] =	wrdreg $0xC0  }
0xab: {  	_ =	task [dreg:s7], $0x5FFFF  }
0xac: {  	[dreg:$0x1] =	wrdreg $0xFFFFFFFF  }
0xad: {  	[dreg:$0x0] =	wrdreg $0x60  }
0xae: {  	[dreg:$0x2] =	wrdreg s24  }
0xaf: {  	[dreg:$0x3] =	wrdreg s2  }
0xb0: {  	[dreg:$0x4] =	wrdreg $0x90000  }
0xb1: {  	[dreg:$0x5] =	wrdreg $0x9  }
0xb2: {  	_ =	task.clear_ibuf [dreg:s7], $0x6FFFF;
	_ =	strace $0x9000004C  }
0xb3: {  	s29 =	simm.s32 $0x9;
	_ =	strace $0x8000004E  }
0xb4: {  	_ =	swait.ge [sflag:s29], $0x1  }
0xb5: {  	[sflag:s29] =	ssyncadd.s32 $0xFFFFFFFF  }
0xb6: {  	_ =	strace $0x9000004E  }
0xb7: {  	_ =	sfence  }
0xb8: {  	s30 =	sld [smem:$0x0];
	_ =	sdelay $0x2  }
0xb9: {  	s31 =	sshll.u32 s1, $0xD;
	s1 =	sshrl.u32 s1, $0x2  }
0xba: {  	s3 =	sand.u32 $0x4000, s31;
	s1 =	sadd.s32 s1, s30  }
0xbb: {  	s0 =	sor.u32 s3, s0;
	s1 =	sshll.u32 s1, $0x11  }
0xbc: {  	s0 =	sor.u32 s1, s0  }
0xbd: {  	s0 =	sadd.s32 $0x8F2B, s0  }
0xbe: {  	[sflag:s0] =	ssyncadd.remote.s32 $0x1  }
0xbf: {  	_ =	sfence.sel $0xFFFF  }
0xc0: {  	[dreg:$0x0] =	wrdreg $0xFFFFFFFF;
	(pc) =	sbr.abs _section_cstart, $3  }
0xc1: {  	[dreg:$0x1] =	wrdreg $0xFFFFFFFF  }
0xc2: {  	_ =	task.clear_ibuf [dreg:s7], $0x2FFFF;
	_ =	strace $0x9FFFFFFF  }
0xc3: {  	(tm) =	ssettm $0x7FFFFFFF  }
tec
execute0_lowered:
.L_overlay_start_1:
0x0: {  	(tag) =	ssettag $0x1  }
0x1: {  	s5 =	rddreg [dreg:$0x0]  }
0x2: {  	s1 =	srdreg.scid;
	s7 =	rddreg [dreg:$0x1]  }
0x3: {  	s0 =	stileid.u32;
	s2 =	rddreg [dreg:$0x2];
	s3 =	simm.s32 $0x0  }
0x4: {  	s15 =	simm.s32 $0x5000;
	s16 =	simm.s32 $0x1;
	s17 =	simm.s32 $0x0  }
0x5: {  	s6 =	sand.u32 $0x1, s1;
	s1 =	rddreg [dreg:$0x3];
	s9 =	smul.u32 $0x14000, s0  }
0x6: {  	s28 =	sshll.u32 s0, $0x1;
	[smem:$0x7FF] =	sst s3;
	s29 =	smul.u32 $0x50000, s0  }
0x7: {  	s31 =	sshll.u32 s0, $0x6;
	s4 =	sor.u32 s6, s28;
	s10 =	smul.u32 $0x140000, s6  }
0x8: {  	_ =	strace $0x8000004D;
	s6 =	ssub.s32 $0x2, s6;
	s8 =	smul.u32 $0x500, s4  }
0x9: {  	s4 =	sadd.s32 $0x37000, s5;
	s12 =	sshrl.u32 s9, $0x3;
	s13 =	sshrl.u32 s6, $0x1  }
0xa: {  	s30 =	sshrl.u32 s29, $0x2;
	s9 =	sadd.s32 s9, s10;
	s12 =	sadd.s32 s12, s5  }
0xb: {  	s13 =	ssub.s32 s6, s13;
	s14 =	sadd.s32 s30, s2;
	s6 =	sor.u32 $0x1C02, s31  }
0xc: {  	s11 =	sadd.s32 s8, s5;
	s9 =	sshrl.u32 s9, $0x3;
	s7 =	sadd.s32 s7, s8  }
0xd: {  	s10 =	smax.u32 s13, $0x1;
	s13 =	simm.s32 $0x2800;
	s9 =	sadd.s32 s9, s5  }
0xe: {  	s5 =	sadd.s32 $0xF000, s12;
	s8 =	sadd.s32 $0x5000, s11;
	s11 =	sshrl.u32 s14, $0x3  }
0xf: {  	s12 =	simm.s32 $0x2;
	s14 =	simm.s32 $0x80;
	s9 =	sadd.s32 $0x5F000, s9  }
.LBB2_1:
0x10: {  	[spmem:s11], [sflag:s6] =	dma.local [hbm:s5], $0x2800  }
0x11: {  	_ =	swait.ge [sflag:s12], $0x2800  }
0x12: {  	[sflag:s12] =	ssyncset.done $0x0  }
0x13: {  	[sflag:s12] =	ssyncadd.s32 $0xFFFFD800  }
0x14: {  	[tilespmem:s3], [sflag:$0x2] =	stream.linear.gather [hbm4b:s7+s3], $0x2800, $0x38;
	[tilespmem:$0x1D000] =	vst v63  }
0x15: {  	_ =	swait.ge [sflag:s12], $0x2800  }
0x16: {  	[sflag:s12] =	ssyncset.done $0x0  }
0x17: {  	[sflag:s12] =	ssyncadd.s32 $0xFFFFD800  }
0x18: {  	[tilespmem:s13], [sflag:$0x2] =	stream.linear.gather [hbm4b:s8+s3], $0x2800, $0x38;
	[tilespmem:$0x1D000] =	vst v63  }
0x19: {  	_ =	swait.ge [sflag:s12], $0x2800  }
0x1a: {  	[sflag:s12] =	ssyncset.done $0x0  }
0x1b: {  	[sflag:s12] =	ssyncadd.s32 $0xFFFFD800  }
0x1c: {  	s18 =	simm.s32 $0x0;
	[bflag:$0x0] =	sbarrier.arrive $0xFFFF  }
0x1d: {  	[tilespmem:s15], [sflag:$0x1] =	stream.indirect.gather [hbm4b:s4+s14], $0x80, s18, s14, $0xb8;
	[tilespmem:$0x1D000] =	vst v63  }
0x1e: {  	_ =	swait.ge [sflag:s16], $0x4000  }
0x1f: {  	[sflag:s16] =	ssyncset.done $0x0  }
0x20: {  	s31 =	simm.s32 $0x2800;
	[sflag:s16] =	ssyncadd.s32 $0xFFFFC000  }
0x21: {  	[spmem:s2] =	stream.indirect.scatter.add.f32 [tilespmem:s15], [sflag:$0x2], $0x80, s31, s14, $0xb8;
	[tilespmem:$0x1D000] =	vst v63  }
0x22: {  	_ =	swait.ge [sflag:s12], $0x4000  }
0x23: {  	s19 =	simm.s32 $0x400;
	s18 =	simm.s32 $0x200;
	[sflag:s12] =	ssyncset.done $0x0  }
.LBB2_2:
0x24: {  	s20 =	sshra.s32 s18, $0x2  }
0x25: {  	[sflag:s12] =	ssyncadd.s32 $0xFFFFC000;
	s18 =	smov.u32 s19;
	s21 =	sadd.s32 $0x200, s19  }
0x26: {  	[tilespmem:s15], [sflag:$0x1] =	stream.indirect.gather [hbm4b:s4+s14], $0x80, s20, s14, $0xb8;
	[tilespmem:$0x1D000] =	vst v63  }
0x27: {  	p0 =	sne.s32 s19, $0x9E00;
	_ =	swait.ge [sflag:s16], $0x4000  }
.Ltmp0:
0x28: {  	[sflag:s16] =	ssyncset.done $0x0;
	(pc) =	sbr.rel @p0 .LBB2_2-.Ltmp0, $4  }
0x29: {  	s19 =	sadd.s32 $0x2800, s20;
	[sflag:s16] =	ssyncadd.s32 $0xFFFFC000  }
0x2a: {  	[spmem:s2] =	stream.indirect.scatter.add.f32 [tilespmem:s15], [sflag:$0x2], $0x80, s19, s14, $0xb8;
	[tilespmem:$0x1D000] =	vst v63  }
0x2b: {  	_ =	swait.ge [sflag:s12], $0x4000  }
0x2c: {  	s19 =	smov.u32 s21;
	[sflag:s12] =	ssyncset.done $0x0  }
0x2d: {  	s18 =	sshra.s32 s18, $0x2;
	[sflag:s12] =	ssyncadd.s32 $0xFFFFC000  }
0x2e: {  	[tilespmem:s15], [sflag:$0x1] =	stream.indirect.gather [hbm4b:s4+s14], $0x80, s18, s14, $0xb8;
	[tilespmem:$0x1D000] =	vst v63  }
0x2f: {  	_ =	swait.ge [sflag:s16], $0x4000  }
0x30: {  	[sflag:s16] =	ssyncset.done $0x0  }
0x31: {  	s18 =	sadd.s32 $0x2800, s18;
	[sflag:s16] =	ssyncadd.s32 $0xFFFFC000  }
0x32: {  	[spmem:s2] =	stream.indirect.scatter.add.f32 [tilespmem:s15], [sflag:$0x2], $0x80, s18, s14, $0xb8;
	[tilespmem:$0x1D000] =	vst v63  }
0x33: {  	_ =	swait.ge [sflag:s12], $0x4000  }
0x34: {  	s17 =	sadd.s32 $0x1, s17;
	[sflag:s12] =	ssyncset.done $0x0  }
0x35: {  	p0 =	sne.s32 s17, s10;
	[sflag:s12] =	ssyncadd.s32 $0xFFFFC000  }
.Ltmp1:
0x36: {  	[bflag:$0x0] =	sbarrier.arrive $0xFFFF;
	(pc) =	sbr.rel @p0 .LBB2_1-.Ltmp1, $4  }
0x37: {  	[hbm:s9], [sflag:s6] =	dma.local [spmem:s11], $0x2800  }
0x38: {  	_ =	swait.ge [sflag:s12], $0x2800  }
0x39: {  	[sflag:s12] =	ssyncset.done $0x0  }
0x3a: {  	[sflag:s12] =	ssyncadd.s32 $0xFFFFD800  }
0x3b: {  	_ =	sfence.sel $0x180000  }
0x3c: {  	[bflag:$0x0] =	sbarrier.arrive $0xFFFF  }
0x3d: {  	p0 =	sne.s32 s0, $0x0;
	_ =	strace $0x9000004D  }
0x3e: {  	s0 =	sadd.s32 @!p0 $0x100000, s1;
	[bflag:$0x2] =	sbarrier.arrive $0xFFFF  }
0x3f: {  	[sflag:s0] =	ssyncadd.tile.s32 @!p0 $0x1;
	_ =	shalt  }
.Lfunc_end2:
_tile_overlayer_lowered:
.L_overlay_start_2:
0x40: {  	(tag) =	ssettag $0x2  }
0x41: {  	s0 =	rddreg [dreg:$0x0];
	s2 =	stileid.u32  }
0x42: {  	s1 =	rddreg [dreg:$0x1];
	p0 =	sne.s32 s2, $0x0  }
0x43: {  	s3 =	rddreg [dreg:$0x2];
	[bflag:$0x3] =	sbarrier.arrive $0xFFFF;
	s2 =	simm.s32 @!p0 $0x1C02  }
0x44: {  	[timem:s3], [sflag:s2] =	dma.local @!p0 [hbm:s0], s1  }
0x45: {  	s0 =	simm.s32 @!p0 $0x2  }
0x46: {  	_ =	swait.ge @!p0 [sflag:s0], s1  }
0x47: {  	s1 =	ssub.s32 @!p0 $0x0, s1;
	[sflag:s0] =	ssyncset.done @!p0 $0x0  }
0x48: {  	[sflag:s0] =	ssyncadd.s32 @!p0 s1  }
0x49: {  	[bflag:$0x3] =	sbarrier.arrive $0xFFFF  }
0x4a: {  	_ =	shalt  }

// kernel: kernel.24.cloned.1.call-start
scs
__scs_entry_jumppad:
0x0: {  	(pc) =	sbr.rel $0x88, $3  }
0x1: {  	(tag) =	ssettag $0x0;
	lr =	simm.s32 $0x1  }
0x2: {  	[smem:$0x3F91] =	sst lr;
	_ =	strace $0xD0000000  }
0x3: {  	_ = 	snop  }
0x4: {  	_ = 	snop  }
0x5: {  	_ = 	snop  }
0x6: {  	_ = 	snop  }
0x7: {  	_ = 	snop  }
__scs_overlays_trampoline_lowered:
0x8: {  	[smem:$0x3FA0] =	sst s0  }
0x9: {  	[smem:$0x3FA1] =	sst s1  }
0xa: {  	[smem:$0x3FA2] =	sst s2  }
0xb: {  	[smem:$0x3FA3] =	sst s3  }
0xc: {  	[smem:$0x3FA4] =	sst s4  }
0xd: {  	[smem:$0x3FA5] =	sst s5  }
0xe: {  	[smem:$0x3FA6] =	sst s6  }
0xf: {  	[smem:$0x3FA7] =	sst s7  }
0x10: {  	[smem:$0x3FA8] =	sst s8  }
0x11: {  	[smem:$0x3FA9] =	sst s9;
	s0 =	simm.s32 @!p0 $0x0  }
0x12: {  	s1 =	sld [smem:$0x3F8F];
	s0 =	simm.s32 @p0 $0x1  }
0x13: {  	[smem:$0x3FAA] =	sst s0;
	s0 =	simm.s32 @!p1 $0x0  }
0x14: {  	s2 =	sld [smem:$0x3F8E];
	s0 =	simm.s32 @p1 $0x1  }
0x15: {  	[smem:$0x3FAB] =	sst s0;
	s0 =	simm.s32 @!p2 $0x0  }
0x16: {  	s3 =	sld [smem:$0x3FDB];
	s0 =	simm.s32 @p2 $0x1  }
0x17: {  	s4 =	simm.s32 $0x1BF5;
	[smem:$0x3FAD] =	sst s0  }
0x18: {  	s0 =	sld [smem:$0x3F90];
	_ =	swait.ge [sflag:s4], $0x0  }
0x19: {  	s7 =	sld [smem:$0x3F91]  }
0x1a: {  	s8 =	sadd.s32 $0xFFFFE003, lr  }
0x1b: {  	s9 =	sadd.s32 $0xFFFFFEF7, lr;
	s5 =	simm.s32 $0xFFFFFFFF;
	p2 =	slt.u32 s8, $0xFFFFF086  }
0x1c: {  	p1 =	slt.u32 s9, $0xF7A;
	s5 =	simm.s32 @!p2 $0x0  }
0x1d: {  	s5 =	simm.s32 @p1 $0x1;
	p0 =	seq.s32 s7, s2  }
0x1e: {  	s7 =	smul.u32 @!p0 $0xF7A, s2;
	p2 =	seq.s32 @!p0 s5, $0x0  }
0x1f: {  	s9 =	smul.u32 $0xF7A, s1;
	s8 =	simm.s32 @!p0 $0x1BF5;
	p2 =	por !p2, p0  }
0x20: {  	[sflag:s8] =	ssyncset.s32 @!p0 $0xFFFFF086;
	s6 =	sadd.s32 @!p0 s3, s7;
	s7 =	simm.s32 @!p0 $0x108  }
0x21: {  	s3 =	sadd.s32 s3, s9;
	s6 =	sadd.s32 @!p0 $0x88, s6;
	s7 =	simm.s32 @p2 $0x1082  }
0x22: {  	[simem:s7], [sflag:s8] =	dma.local @!p0 [hbm:s6], $0xF7A  }
0x23: {  	s9 =	sor.u32 $0xD0000000, s2;
	s6 =	simm.s32 $0x108;
	_ =	swait.ge @!p0 [sflag:s8], $0x0  }
0x24: {  	s3 =	sadd.s32 $0x88, s3;
	s6 =	simm.s32 @!p1 $0x1082;
	[sflag:s4] =	ssyncset.s32 $0xFFFFF086  }
0x25: {  	[simem:s6], [sflag:s4] =	dma.local [hbm:s3], $0xF7A  }
0x26: {  	[smem:$0x3F91] =	sst s1;
	(tag) =	ssettag s2;
	_ =	strace s9  }
0x27: {  	s1 =	sld [smem:$0x3FA1]  }
0x28: {  	s2 =	sld [smem:$0x3FA2]  }
0x29: {  	s4 =	sld [smem:$0x3FA4]  }
0x2a: {  	p0 =	seq.s32 s5, $0x0;
	s5 =	sld [smem:$0x3FA5]  }
0x2b: {  	s6 =	sld [smem:$0x3FA6]  }
0x2c: {  	s7 =	sld [smem:$0x3FA7]  }
0x2d: {  	s3 =	simm.s32 $0x108;
	s8 =	sld [smem:$0x3FA8]  }
0x2e: {  	s3 =	simm.s32 @!p0 $0x1082;
	s9 =	sld [smem:$0x3FA9]  }
0x2f: {  	lr =	sadd.s32 s0, s3;
	s0 =	sld [smem:$0x3FA0]  }
0x30: {  	s3 =	sld [smem:$0x3FA3]  }
0x31: {  	[smem:$0x3FAC] =	sst s10  }
0x32: {  	s10 =	sld [smem:$0x3FAA];
	_ =	sdelay $0x3  }
0x33: {  	p0 =	seq.s32 s10, $0x1;
	s10 =	sld [smem:$0x3FAC];
	_ =	sdelay $0x3  }
0x34: {  	[smem:$0x3FAC] =	sst s10  }
0x35: {  	s10 =	sld [smem:$0x3FAB];
	_ =	sdelay $0x3  }
0x36: {  	p1 =	seq.s32 s10, $0x1;
	s10 =	sld [smem:$0x3FAC];
	_ =	sdelay $0x3  }
0x37: {  	[smem:$0x3FAC] =	sst s10  }
0x38: {  	s10 =	sld [smem:$0x3FAD]  }
0x39: {  	_ = 	snop;
	(pc) =	sbr.ind lr, $3  }
0x3a: {  	_ = 	snop  }
0x3b: {  	_ = 	snop  }
0x3c: {  	p2 =	seq.s32 s10, $0x1;
	s10 =	sld [smem:$0x3FAC]  }
0x3d: {  	_ =	shalt  }
0x3e: {  	_ =	shalt  }
0x3f: {  	_ =	shalt  }
0x40: {  	_ =	shalt  }
0x41: {  	_ =	shalt  }
0x42: {  	_ =	shalt  }
0x43: {  	_ =	shalt  }
0x44: {  	_ =	shalt  }
0x45: {  	_ =	shalt  }
0x46: {  	_ =	shalt  }
0x47: {  	_ =	shalt  }
0x48: {  	_ =	shalt  }
0x49: {  	_ =	shalt  }
0x4a: {  	_ =	shalt  }
0x4b: {  	_ =	shalt  }
0x4c: {  	_ =	shalt  }
0x4d: {  	_ =	shalt  }
0x4e: {  	_ =	shalt  }
0x4f: {  	_ =	shalt  }
0x50: {  	_ =	shalt  }
0x51: {  	_ =	shalt  }
0x52: {  	_ =	shalt  }
0x53: {  	_ =	shalt  }
0x54: {  	_ =	shalt  }
0x55: {  	_ =	shalt  }
0x56: {  	_ =	shalt  }
0x57: {  	_ =	shalt  }
0x58: {  	_ =	shalt  }
0x59: {  	_ =	shalt  }
0x5a: {  	_ =	shalt  }
0x5b: {  	_ =	shalt  }
0x5c: {  	_ =	shalt  }
0x5d: {  	_ =	shalt  }
0x5e: {  	_ =	shalt  }
0x5f: {  	_ =	shalt  }
0x60: {  	_ =	shalt  }
0x61: {  	_ =	shalt  }
0x62: {  	_ =	shalt  }
0x63: {  	_ =	shalt  }
0x64: {  	_ =	shalt  }
0x65: {  	_ =	shalt  }
0x66: {  	_ =	shalt  }
0x67: {  	_ =	shalt  }
0x68: {  	_ =	shalt  }
0x69: {  	_ =	shalt  }
0x6a: {  	_ =	shalt  }
0x6b: {  	_ =	shalt  }
0x6c: {  	_ =	shalt  }
0x6d: {  	_ =	shalt  }
0x6e: {  	_ =	shalt  }
0x6f: {  	_ =	shalt  }
0x70: {  	_ =	shalt  }
0x71: {  	_ =	shalt  }
0x72: {  	_ =	shalt  }
0x73: {  	_ =	shalt  }
0x74: {  	_ =	shalt  }
0x75: {  	_ =	shalt  }
0x76: {  	_ =	shalt  }
0x77: {  	_ =	shalt  }
0x78: {  	_ =	shalt  }
0x79: {  	_ =	shalt  }
0x7a: {  	_ =	shalt  }
0x7b: {  	_ =	shalt  }
0x7c: {  	_ =	shalt  }
0x7d: {  	_ =	shalt  }
0x7e: {  	_ =	shalt  }
0x7f: {  	_ =	shalt  }
0x80: {  	_ =	shalt  }
0x81: {  	_ =	shalt  }
0x82: {  	_ =	shalt  }
0x83: {  	_ =	shalt  }
0x84: {  	_ =	shalt  }
0x85: {  	_ =	shalt  }
0x86: {  	_ =	shalt  }
0x87: {  	_ =	shalt  }
.Lfunc_end0:
.L_simem_size_0:
called_computation.3_lowered:
.L_overlay_start_0:
0x88: {  	s2 =	sld [smem:$0x3FD9]  }
0x89: {  	s3 =	sld [smem:$0x3FFE];
	_ =	sdelay $0x1  }
0x8a: {  	s1 =	srdreg.scid  }
0x8b: {  	s0 =	sand.u32 $0x1, s1  }
0x8c: {  	s17 =	sshll.u32 s0, $0xA;
	s2 =	sadd.s32 s3, s2  }
0x8d: {  	s2 =	sadd.s32 s2, s17  }
0x8e: {  	[smem:$0x3FB8] =	sst s2  }
0x8f: {  	_ = 	snop  }
0x90: {  	s2 =	sld [smem:$0x3FD0];
	(tm) =	ssettm $0x1  }
0x91: {  	s18 =	sld [smem:$0x3FFB];
	_ =	sdelay $0x3  }
0x92: {  	_ =	strace s18  }
0x93: {  	s3 =	sld [smem:$0x3FFC];
	_ =	sdelay $0x3  }
0x94: {  	_ =	strace s3  }
0x95: {  	s3 =	sld [smem:$0x3FFD];
	_ =	sdelay $0x3  }
0x96: {  	_ =	strace s3  }
0x97: {  	_ =	strace $0x8FFFFFFF  }
0x98: {  	s19 =	sld [smem:$0x3FDB];
	_ =	sdelay $0x1  }
0x99: {  	s4 =	simm.s32 $_scs_section_size  }
0x9a: {  	s5 =	simm.s32 $_size__tile_overlayer_lowered;
	s6 =	simm.s32 $_tile_overlayer_lowered  }
0x9b: {  	s22 =	simm.s32 $0x1BFF;
	s21 =	sshll.u32 s6, $0x1;
	s3 =	sadd.s32 s4, s19  }
0x9c: {  	s7 =	simm.s32 $0x0;
	s20 =	sshll.u32 s5, $0x1;
	s5 =	sadd.s32 s21, s3  }
0x9d: {  	[timem:s7], [sflag:s22] =	dma.local [hbm:s5], s20  }
0x9e: {  	_ =	swait.ge [sflag:s22], s20  }
0x9f: {  	s4 =	ssub.s32 $0x0, s20;
	[sflag:s22] =	ssyncset.done $0x0  }
0xa0: {  	[sflag:s22] =	ssyncadd.s32 s4;
	_ =	sdelay $0x1  }
0xa1: {  	s23 =	simm.s32 $0x1B8B  }
0xa2: {  	_ =	swait.ge [sflag:s23], $0x1  }
0xa3: {  	[sflag:s23] =	ssyncset.done $0x0  }
0xa4: {  	s25 =	simm.s32 $0x1B8E;
	s24 =	sld [smem:$0x3FFE];
	[sflag:s23] =	ssyncadd.s32 $0xFFFFFFFF  }
0xa5: {  	s26 =	simm.s32 $execute0_lowered;
	[smem:$0x3FD2] =	sst s25  }
0xa6: {  	s5 =	sshll.u32 s26, $0x1;
	_ =	strace $0x8000004F;
	[dreg:$0x1] =	wrdreg $0xFFFFFFFF  }
0xa7: {  	s28 =	simm.s32 $_size_execute0_lowered;
	s3 =	sadd.s32 s3, s5;
	[dreg:$0x0] =	wrdreg $0x0  }
0xa8: {  	s5 =	sshll.u32 s28, $0x1;
	[dreg:$0x2] =	wrdreg s3  }
0xa9: {  	[dreg:$0x3] =	wrdreg s5  }
0xaa: {  	[dreg:$0x4] =	wrdreg $0xC0  }
0xab: {  	_ =	task [dreg:s7], $0x5FFFF  }
0xac: {  	[dreg:$0x1] =	wrdreg $0xFFFFFFFF  }
0xad: {  	[dreg:$0x0] =	wrdreg $0x60  }
0xae: {  	[dreg:$0x2] =	wrdreg s24  }
0xaf: {  	[dreg:$0x3] =	wrdreg s2  }
0xb0: {  	[dreg:$0x4] =	wrdreg $0x90000  }
0xb1: {  	[dreg:$0x5] =	wrdreg $0x9  }
0xb2: {  	_ =	task.clear_ibuf [dreg:s7], $0x6FFFF;
	_ =	strace $0x9000004F  }
0xb3: {  	s29 =	simm.s32 $0x9;
	_ =	strace $0x80000051  }
0xb4: {  	_ =	swait.ge [sflag:s29], $0x1  }
0xb5: {  	[sflag:s29] =	ssyncadd.s32 $0xFFFFFFFF  }
0xb6: {  	_ =	strace $0x90000051  }
0xb7: {  	_ =	sfence  }
0xb8: {  	s30 =	sld [smem:$0x0];
	_ =	sdelay $0x2  }
0xb9: {  	s31 =	sshll.u32 s1, $0xD;
	s1 =	sshrl.u32 s1, $0x2  }
0xba: {  	s3 =	sand.u32 $0x4000, s31;
	s1 =	sadd.s32 s1, s30  }
0xbb: {  	s0 =	sor.u32 s3, s0;
	s1 =	sshll.u32 s1, $0x11  }
0xbc: {  	s0 =	sor.u32 s1, s0  }
0xbd: {  	s0 =	sadd.s32 $0x8F2B, s0  }
0xbe: {  	[sflag:s0] =	ssyncadd.remote.s32 $0x1  }
0xbf: {  	_ =	sfence.sel $0xFFFF  }
0xc0: {  	[dreg:$0x0] =	wrdreg $0xFFFFFFFF;
	(pc) =	sbr.abs _section_cstart, $3  }
0xc1: {  	[dreg:$0x1] =	wrdreg $0xFFFFFFFF  }
0xc2: {  	_ =	task.clear_ibuf [dreg:s7], $0x2FFFF;
	_ =	strace $0x9FFFFFFF  }
0xc3: {  	(tm) =	ssettm $0x7FFFFFFF  }
tec
execute0_lowered:
.L_overlay_start_1:
0x0: {  	(tag) =	ssettag $0x1  }
0x1: {  	s5 =	rddreg [dreg:$0x0]  }
0x2: {  	s1 =	srdreg.scid;
	s7 =	rddreg [dreg:$0x1]  }
0x3: {  	s0 =	stileid.u32;
	s2 =	rddreg [dreg:$0x2];
	s3 =	simm.s32 $0x0  }
0x4: {  	s15 =	simm.s32 $0x5000;
	s16 =	simm.s32 $0x1;
	s17 =	simm.s32 $0x0  }
0x5: {  	s6 =	sand.u32 $0x1, s1;
	s1 =	rddreg [dreg:$0x3];
	s9 =	smul.u32 $0x14000, s0  }
0x6: {  	s28 =	sshll.u32 s0, $0x1;
	[smem:$0x7FF] =	sst s3;
	s29 =	smul.u32 $0x50000, s0  }
0x7: {  	s31 =	sshll.u32 s0, $0x6;
	s4 =	sor.u32 s6, s28;
	s10 =	smul.u32 $0x140000, s6  }
0x8: {  	_ =	strace $0x80000050;
	s6 =	ssub.s32 $0x2, s6;
	s8 =	smul.u32 $0x500, s4  }
0x9: {  	s4 =	sadd.s32 $0x37000, s5;
	s12 =	sshrl.u32 s9, $0x3;
	s13 =	sshrl.u32 s6, $0x1  }
0xa: {  	s30 =	sshrl.u32 s29, $0x2;
	s9 =	sadd.s32 s9, s10;
	s12 =	sadd.s32 s12, s5  }
0xb: {  	s13 =	ssub.s32 s6, s13;
	s14 =	sadd.s32 s30, s2;
	s6 =	sor.u32 $0x1C02, s31  }
0xc: {  	s11 =	sadd.s32 s8, s5;
	s9 =	sshrl.u32 s9, $0x3;
	s7 =	sadd.s32 s7, s8  }
0xd: {  	s10 =	smax.u32 s13, $0x1;
	s13 =	simm.s32 $0x2800;
	s9 =	sadd.s32 s9, s5  }
0xe: {  	s5 =	sadd.s32 $0xF000, s12;
	s8 =	sadd.s32 $0x5000, s11;
	s11 =	sshrl.u32 s14, $0x3  }
0xf: {  	s12 =	simm.s32 $0x2;
	s14 =	simm.s32 $0x80;
	s9 =	sadd.s32 $0x5F000, s9  }
.LBB2_1:
0x10: {  	[spmem:s11], [sflag:s6] =	dma.local [hbm:s5], $0x2800  }
0x11: {  	_ =	swait.ge [sflag:s12], $0x2800  }
0x12: {  	[sflag:s12] =	ssyncset.done $0x0  }
0x13: {  	[sflag:s12] =	ssyncadd.s32 $0xFFFFD800  }
0x14: {  	[tilespmem:s3], [sflag:$0x2] =	stream.linear.gather [hbm4b:s7+s3], $0x2800, $0x38;
	[tilespmem:$0x1D000] =	vst v63  }
0x15: {  	_ =	swait.ge [sflag:s12], $0x2800  }
0x16: {  	[sflag:s12] =	ssyncset.done $0x0  }
0x17: {  	[sflag:s12] =	ssyncadd.s32 $0xFFFFD800  }
0x18: {  	[tilespmem:s13], [sflag:$0x2] =	stream.linear.gather [hbm4b:s8+s3], $0x2800, $0x38;
	[tilespmem:$0x1D000] =	vst v63  }
0x19: {  	_ =	swait.ge [sflag:s12], $0x2800  }
0x1a: {  	[sflag:s12] =	ssyncset.done $0x0  }
0x1b: {  	[sflag:s12] =	ssyncadd.s32 $0xFFFFD800  }
0x1c: {  	s18 =	simm.s32 $0x0;
	[bflag:$0x0] =	sbarrier.arrive $0xFFFF  }
0x1d: {  	[tilespmem:s15], [sflag:$0x1] =	stream.indirect.gather [hbm4b:s4+s14], $0x80, s18, s14, $0xb8;
	[tilespmem:$0x1D000] =	vst v63  }
0x1e: {  	_ =	swait.ge [sflag:s16], $0x4000  }
0x1f: {  	[sflag:s16] =	ssyncset.done $0x0  }
0x20: {  	s31 =	simm.s32 $0x2800;
	[sflag:s16] =	ssyncadd.s32 $0xFFFFC000  }
0x21: {  	[spmem:s2] =	stream.indirect.scatter.add.f32 [tilespmem:s15], [sflag:$0x2], $0x80, s31, s14, $0xb8;
	[tilespmem:$0x1D000] =	vst v63  }
0x22: {  	_ =	swait.ge [sflag:s12], $0x4000  }
0x23: {  	s19 =	simm.s32 $0x400;
	s18 =	simm.s32 $0x200;
	[sflag:s12] =	ssyncset.done $0x0  }
.LBB2_2:
0x24: {  	s20 =	sshra.s32 s18, $0x2  }
0x25: {  	[sflag:s12] =	ssyncadd.s32 $0xFFFFC000;
	s18 =	smov.u32 s19;
	s21 =	sadd.s32 $0x200, s19  }
0x26: {  	[tilespmem:s15], [sflag:$0x1] =	stream.indirect.gather [hbm4b:s4+s14], $0x80, s20, s14, $0xb8;
	[tilespmem:$0x1D000] =	vst v63  }
0x27: {  	p0 =	sne.s32 s19, $0x9E00;
	_ =	swait.ge [sflag:s16], $0x4000  }
.Ltmp0:
0x28: {  	[sflag:s16] =	ssyncset.done $0x0;
	(pc) =	sbr.rel @p0 .LBB2_2-.Ltmp0, $4  }
0x29: {  	s19 =	sadd.s32 $0x2800, s20;
	[sflag:s16] =	ssyncadd.s32 $0xFFFFC000  }
0x2a: {  	[spmem:s2] =	stream.indirect.scatter.add.f32 [tilespmem:s15], [sflag:$0x2], $0x80, s19, s14, $0xb8;
	[tilespmem:$0x1D000] =	vst v63  }
0x2b: {  	_ =	swait.ge [sflag:s12], $0x4000  }
0x2c: {  	s19 =	smov.u32 s21;
	[sflag:s12] =	ssyncset.done $0x0  }
0x2d: {  	s18 =	sshra.s32 s18, $0x2;
	[sflag:s12] =	ssyncadd.s32 $0xFFFFC000  }
0x2e: {  	[tilespmem:s15], [sflag:$0x1] =	stream.indirect.gather [hbm4b:s4+s14], $0x80, s18, s14, $0xb8;
	[tilespmem:$0x1D000] =	vst v63  }
0x2f: {  	_ =	swait.ge [sflag:s16], $0x4000  }
0x30: {  	[sflag:s16] =	ssyncset.done $0x0  }
0x31: {  	s18 =	sadd.s32 $0x2800, s18;
	[sflag:s16] =	ssyncadd.s32 $0xFFFFC000  }
0x32: {  	[spmem:s2] =	stream.indirect.scatter.add.f32 [tilespmem:s15], [sflag:$0x2], $0x80, s18, s14, $0xb8;
	[tilespmem:$0x1D000] =	vst v63  }
0x33: {  	_ =	swait.ge [sflag:s12], $0x4000  }
0x34: {  	s17 =	sadd.s32 $0x1, s17;
	[sflag:s12] =	ssyncset.done $0x0  }
0x35: {  	p0 =	sne.s32 s17, s10;
	[sflag:s12] =	ssyncadd.s32 $0xFFFFC000  }
.Ltmp1:
0x36: {  	[bflag:$0x0] =	sbarrier.arrive $0xFFFF;
	(pc) =	sbr.rel @p0 .LBB2_1-.Ltmp1, $4  }
0x37: {  	[hbm:s9], [sflag:s6] =	dma.local [spmem:s11], $0x2800  }
0x38: {  	_ =	swait.ge [sflag:s12], $0x2800  }
0x39: {  	[sflag:s12] =	ssyncset.done $0x0  }
0x3a: {  	[sflag:s12] =	ssyncadd.s32 $0xFFFFD800  }
0x3b: {  	_ =	sfence.sel $0x180000  }
0x3c: {  	[bflag:$0x0] =	sbarrier.arrive $0xFFFF  }
0x3d: {  	p0 =	sne.s32 s0, $0x0;
	_ =	strace $0x90000050  }
0x3e: {  	s0 =	sadd.s32 @!p0 $0x100000, s1;
	[bflag:$0x2] =	sbarrier.arrive $0xFFFF  }
0x3f: {  	[sflag:s0] =	ssyncadd.tile.s32 @!p0 $0x1;
	_ =	shalt  }
.Lfunc_end2:
_tile_overlayer_lowered:
.L_overlay_start_2:
0x40: {  	(tag) =	ssettag $0x2  }
0x41: {  	s0 =	rddreg [dreg:$0x0];
	s2 =	stileid.u32  }
0x42: {  	s1 =	rddreg [dreg:$0x1];
	p0 =	sne.s32 s2, $0x0  }
0x43: {  	s3 =	rddreg [dreg:$0x2];
	[bflag:$0x3] =	sbarrier.arrive $0xFFFF;
	s2 =	simm.s32 @!p0 $0x1C02  }
0x44: {  	[timem:s3], [sflag:s2] =	dma.local @!p0 [hbm:s0], s1  }
0x45: {  	s0 =	simm.s32 @!p0 $0x2  }
0x46: {  	_ =	swait.ge @!p0 [sflag:s0], s1  }
0x47: {  	s1 =	ssub.s32 @!p0 $0x0, s1;
	[sflag:s0] =	ssyncset.done @!p0 $0x0  }
0x48: {  	[sflag:s0] =	ssyncadd.s32 @!p0 s1  }
0x49: {  	[bflag:$0x3] =	sbarrier.arrive $0xFFFF  }
0x4a: {  	_ =	shalt  }

// kernel: kernel.27.cloned.1.call-start
scs
__scs_entry_jumppad:
0x0: {  	(pc) =	sbr.rel $0x88, $3  }
0x1: {  	(tag) =	ssettag $0x0;
	lr =	simm.s32 $0x1  }
0x2: {  	[smem:$0x3F91] =	sst lr;
	_ =	strace $0xD0000000  }
0x3: {  	_ = 	snop  }
0x4: {  	_ = 	snop  }
0x5: {  	_ = 	snop  }
0x6: {  	_ = 	snop  }
0x7: {  	_ = 	snop  }
__scs_overlays_trampoline_lowered:
0x8: {  	[smem:$0x3FA0] =	sst s0  }
0x9: {  	[smem:$0x3FA1] =	sst s1  }
0xa: {  	[smem:$0x3FA2] =	sst s2  }
0xb: {  	[smem:$0x3FA3] =	sst s3  }
0xc: {  	[smem:$0x3FA4] =	sst s4  }
0xd: {  	[smem:$0x3FA5] =	sst s5  }
0xe: {  	[smem:$0x3FA6] =	sst s6  }
0xf: {  	[smem:$0x3FA7] =	sst s7  }
0x10: {  	[smem:$0x3FA8] =	sst s8  }
0x11: {  	[smem:$0x3FA9] =	sst s9;
	s0 =	simm.s32 @!p0 $0x0  }
0x12: {  	s1 =	sld [smem:$0x3F8F];
	s0 =	simm.s32 @p0 $0x1  }
0x13: {  	[smem:$0x3FAA] =	sst s0;
	s0 =	simm.s32 @!p1 $0x0  }
0x14: {  	s2 =	sld [smem:$0x3F8E];
	s0 =	simm.s32 @p1 $0x1  }
0x15: {  	[smem:$0x3FAB] =	sst s0;
	s0 =	simm.s32 @!p2 $0x0  }
0x16: {  	s3 =	sld [smem:$0x3FDB];
	s0 =	simm.s32 @p2 $0x1  }
0x17: {  	s4 =	simm.s32 $0x1BF5;
	[smem:$0x3FAD] =	sst s0  }
0x18: {  	s0 =	sld [smem:$0x3F90];
	_ =	swait.ge [sflag:s4], $0x0  }
0x19: {  	s7 =	sld [smem:$0x3F91]  }
0x1a: {  	s8 =	sadd.s32 $0xFFFFE003, lr  }
0x1b: {  	s9 =	sadd.s32 $0xFFFFFEF7, lr;
	s5 =	simm.s32 $0xFFFFFFFF;
	p2 =	slt.u32 s8, $0xFFFFF086  }
0x1c: {  	p1 =	slt.u32 s9, $0xF7A;
	s5 =	simm.s32 @!p2 $0x0  }
0x1d: {  	s5 =	simm.s32 @p1 $0x1;
	p0 =	seq.s32 s7, s2  }
0x1e: {  	s7 =	smul.u32 @!p0 $0xF7A, s2;
	p2 =	seq.s32 @!p0 s5, $0x0  }
0x1f: {  	s9 =	smul.u32 $0xF7A, s1;
	s8 =	simm.s32 @!p0 $0x1BF5;
	p2 =	por !p2, p0  }
0x20: {  	[sflag:s8] =	ssyncset.s32 @!p0 $0xFFFFF086;
	s6 =	sadd.s32 @!p0 s3, s7;
	s7 =	simm.s32 @!p0 $0x108  }
0x21: {  	s3 =	sadd.s32 s3, s9;
	s6 =	sadd.s32 @!p0 $0x88, s6;
	s7 =	simm.s32 @p2 $0x1082  }
0x22: {  	[simem:s7], [sflag:s8] =	dma.local @!p0 [hbm:s6], $0xF7A  }
0x23: {  	s9 =	sor.u32 $0xD0000000, s2;
	s6 =	simm.s32 $0x108;
	_ =	swait.ge @!p0 [sflag:s8], $0x0  }
0x24: {  	s3 =	sadd.s32 $0x88, s3;
	s6 =	simm.s32 @!p1 $0x1082;
	[sflag:s4] =	ssyncset.s32 $0xFFFFF086  }
0x25: {  	[simem:s6], [sflag:s4] =	dma.local [hbm:s3], $0xF7A  }
0x26: {  	[smem:$0x3F91] =	sst s1;
	(tag) =	ssettag s2;
	_ =	strace s9  }
0x27: {  	s1 =	sld [smem:$0x3FA1]  }
0x28: {  	s2 =	sld [smem:$0x3FA2]  }
0x29: {  	s4 =	sld [smem:$0x3FA4]  }
0x2a: {  	p0 =	seq.s32 s5, $0x0;
	s5 =	sld [smem:$0x3FA5]  }
0x2b: {  	s6 =	sld [smem:$0x3FA6]  }
0x2c: {  	s7 =	sld [smem:$0x3FA7]  }
0x2d: {  	s3 =	simm.s32 $0x108;
	s8 =	sld [smem:$0x3FA8]  }
0x2e: {  	s3 =	simm.s32 @!p0 $0x1082;
	s9 =	sld [smem:$0x3FA9]  }
0x2f: {  	lr =	sadd.s32 s0, s3;
	s0 =	sld [smem:$0x3FA0]  }
0x30: {  	s3 =	sld [smem:$0x3FA3]  }
0x31: {  	[smem:$0x3FAC] =	sst s10  }
0x32: {  	s10 =	sld [smem:$0x3FAA];
	_ =	sdelay $0x3  }
0x33: {  	p0 =	seq.s32 s10, $0x1;
	s10 =	sld [smem:$0x3FAC];
	_ =	sdelay $0x3  }
0x34: {  	[smem:$0x3FAC] =	sst s10  }
0x35: {  	s10 =	sld [smem:$0x3FAB];
	_ =	sdelay $0x3  }
0x36: {  	p1 =	seq.s32 s10, $0x1;
	s10 =	sld [smem:$0x3FAC];
	_ =	sdelay $0x3  }
0x37: {  	[smem:$0x3FAC] =	sst s10  }
0x38: {  	s10 =	sld [smem:$0x3FAD]  }
0x39: {  	_ = 	snop;
	(pc) =	sbr.ind lr, $3  }
0x3a: {  	_ = 	snop  }
0x3b: {  	_ = 	snop  }
0x3c: {  	p2 =	seq.s32 s10, $0x1;
	s10 =	sld [smem:$0x3FAC]  }
0x3d: {  	_ =	shalt  }
0x3e: {  	_ =	shalt  }
0x3f: {  	_ =	shalt  }
0x40: {  	_ =	shalt  }
0x41: {  	_ =	shalt  }
0x42: {  	_ =	shalt  }
0x43: {  	_ =	shalt  }
0x44: {  	_ =	shalt  }
0x45: {  	_ =	shalt  }
0x46: {  	_ =	shalt  }
0x47: {  	_ =	shalt  }
0x48: {  	_ =	shalt  }
0x49: {  	_ =	shalt  }
0x4a: {  	_ =	shalt  }
0x4b: {  	_ =	shalt  }
0x4c: {  	_ =	shalt  }
0x4d: {  	_ =	shalt  }
0x4e: {  	_ =	shalt  }
0x4f: {  	_ =	shalt  }
0x50: {  	_ =	shalt  }
0x51: {  	_ =	shalt  }
0x52: {  	_ =	shalt  }
0x53: {  	_ =	shalt  }
0x54: {  	_ =	shalt  }
0x55: {  	_ =	shalt  }
0x56: {  	_ =	shalt  }
0x57: {  	_ =	shalt  }
0x58: {  	_ =	shalt  }
0x59: {  	_ =	shalt  }
0x5a: {  	_ =	shalt  }
0x5b: {  	_ =	shalt  }
0x5c: {  	_ =	shalt  }
0x5d: {  	_ =	shalt  }
0x5e: {  	_ =	shalt  }
0x5f: {  	_ =	shalt  }
0x60: {  	_ =	shalt  }
0x61: {  	_ =	shalt  }
0x62: {  	_ =	shalt  }
0x63: {  	_ =	shalt  }
0x64: {  	_ =	shalt  }
0x65: {  	_ =	shalt  }
0x66: {  	_ =	shalt  }
0x67: {  	_ =	shalt  }
0x68: {  	_ =	shalt  }
0x69: {  	_ =	shalt  }
0x6a: {  	_ =	shalt  }
0x6b: {  	_ =	shalt  }
0x6c: {  	_ =	shalt  }
0x6d: {  	_ =	shalt  }
0x6e: {  	_ =	shalt  }
0x6f: {  	_ =	shalt  }
0x70: {  	_ =	shalt  }
0x71: {  	_ =	shalt  }
0x72: {  	_ =	shalt  }
0x73: {  	_ =	shalt  }
0x74: {  	_ =	shalt  }
0x75: {  	_ =	shalt  }
0x76: {  	_ =	shalt  }
0x77: {  	_ =	shalt  }
0x78: {  	_ =	shalt  }
0x79: {  	_ =	shalt  }
0x7a: {  	_ =	shalt  }
0x7b: {  	_ =	shalt  }
0x7c: {  	_ =	shalt  }
0x7d: {  	_ =	shalt  }
0x7e: {  	_ =	shalt  }
0x7f: {  	_ =	shalt  }
0x80: {  	_ =	shalt  }
0x81: {  	_ =	shalt  }
0x82: {  	_ =	shalt  }
0x83: {  	_ =	shalt  }
0x84: {  	_ =	shalt  }
0x85: {  	_ =	shalt  }
0x86: {  	_ =	shalt  }
0x87: {  	_ =	shalt  }
.Lfunc_end0:
.L_simem_size_0:
called_computation.4_lowered:
.L_overlay_start_0:
0x88: {  	s2 =	sld [smem:$0x3FD9]  }
0x89: {  	s3 =	sld [smem:$0x3FFE];
	_ =	sdelay $0x1  }
0x8a: {  	s1 =	srdreg.scid  }
0x8b: {  	s0 =	sand.u32 $0x1, s1  }
0x8c: {  	s17 =	sshll.u32 s0, $0xA;
	s2 =	sadd.s32 s3, s2  }
0x8d: {  	s2 =	sadd.s32 s2, s17  }
0x8e: {  	[smem:$0x3FB8] =	sst s2  }
0x8f: {  	_ = 	snop  }
0x90: {  	s2 =	sld [smem:$0x3FD0];
	(tm) =	ssettm $0x1  }
0x91: {  	s18 =	sld [smem:$0x3FFB];
	_ =	sdelay $0x3  }
0x92: {  	_ =	strace s18  }
0x93: {  	s3 =	sld [smem:$0x3FFC];
	_ =	sdelay $0x3  }
0x94: {  	_ =	strace s3  }
0x95: {  	s3 =	sld [smem:$0x3FFD];
	_ =	sdelay $0x3  }
0x96: {  	_ =	strace s3  }
0x97: {  	_ =	strace $0x8FFFFFFF  }
0x98: {  	s19 =	sld [smem:$0x3FDB];
	_ =	sdelay $0x1  }
0x99: {  	s4 =	simm.s32 $_scs_section_size  }
0x9a: {  	s5 =	simm.s32 $_size__tile_overlayer_lowered;
	s6 =	simm.s32 $_tile_overlayer_lowered  }
0x9b: {  	s22 =	simm.s32 $0x1BFF;
	s21 =	sshll.u32 s6, $0x1;
	s3 =	sadd.s32 s4, s19  }
0x9c: {  	s7 =	simm.s32 $0x0;
	s20 =	sshll.u32 s5, $0x1;
	s5 =	sadd.s32 s21, s3  }
0x9d: {  	[timem:s7], [sflag:s22] =	dma.local [hbm:s5], s20  }
0x9e: {  	_ =	swait.ge [sflag:s22], s20  }
0x9f: {  	s4 =	ssub.s32 $0x0, s20;
	[sflag:s22] =	ssyncset.done $0x0  }
0xa0: {  	[sflag:s22] =	ssyncadd.s32 s4;
	_ =	sdelay $0x1  }
0xa1: {  	s23 =	simm.s32 $0x1B8B  }
0xa2: {  	_ =	swait.ge [sflag:s23], $0x1  }
0xa3: {  	[sflag:s23] =	ssyncset.done $0x0  }
0xa4: {  	s25 =	simm.s32 $0x1B8E;
	s24 =	sld [smem:$0x3FFE];
	[sflag:s23] =	ssyncadd.s32 $0xFFFFFFFF  }
0xa5: {  	s26 =	simm.s32 $execute0_lowered;
	[smem:$0x3FD2] =	sst s25  }
0xa6: {  	s5 =	sshll.u32 s26, $0x1;
	_ =	strace $0x80000052;
	[dreg:$0x1] =	wrdreg $0xFFFFFFFF  }
0xa7: {  	s28 =	simm.s32 $_size_execute0_lowered;
	s3 =	sadd.s32 s3, s5;
	[dreg:$0x0] =	wrdreg $0x0  }
0xa8: {  	s5 =	sshll.u32 s28, $0x1;
	[dreg:$0x2] =	wrdreg s3  }
0xa9: {  	[dreg:$0x3] =	wrdreg s5  }
0xaa: {  	[dreg:$0x4] =	wrdreg $0xC0  }
0xab: {  	_ =	task [dreg:s7], $0x5FFFF  }
0xac: {  	[dreg:$0x1] =	wrdreg $0xFFFFFFFF  }
0xad: {  	[dreg:$0x0] =	wrdreg $0x60  }
0xae: {  	[dreg:$0x2] =	wrdreg s24  }
0xaf: {  	[dreg:$0x3] =	wrdreg s2  }
0xb0: {  	[dreg:$0x4] =	wrdreg $0x90000  }
0xb1: {  	[dreg:$0x5] =	wrdreg $0x9  }
0xb2: {  	_ =	task.clear_ibuf [dreg:s7], $0x6FFFF;
	_ =	strace $0x90000052  }
0xb3: {  	s29 =	simm.s32 $0x9;
	_ =	strace $0x80000054  }
0xb4: {  	_ =	swait.ge [sflag:s29], $0x1  }
0xb5: {  	[sflag:s29] =	ssyncadd.s32 $0xFFFFFFFF  }
0xb6: {  	_ =	strace $0x90000054  }
0xb7: {  	_ =	sfence  }
0xb8: {  	s30 =	sld [smem:$0x0];
	_ =	sdelay $0x2  }
0xb9: {  	s31 =	sshll.u32 s1, $0xD;
	s1 =	sshrl.u32 s1, $0x2  }
0xba: {  	s3 =	sand.u32 $0x4000, s31;
	s1 =	sadd.s32 s1, s30  }
0xbb: {  	s0 =	sor.u32 s3, s0;
	s1 =	sshll.u32 s1, $0x11  }
0xbc: {  	s0 =	sor.u32 s1, s0  }
0xbd: {  	s0 =	sadd.s32 $0x8F2B, s0  }
0xbe: {  	[sflag:s0] =	ssyncadd.remote.s32 $0x1  }
0xbf: {  	_ =	sfence.sel $0xFFFF  }
0xc0: {  	[dreg:$0x0] =	wrdreg $0xFFFFFFFF;
	(pc) =	sbr.abs _section_cstart, $3  }
0xc1: {  	[dreg:$0x1] =	wrdreg $0xFFFFFFFF  }
0xc2: {  	_ =	task.clear_ibuf [dreg:s7], $0x2FFFF;
	_ =	strace $0x9FFFFFFF  }
0xc3: {  	(tm) =	ssettm $0x7FFFFFFF  }
tec
execute0_lowered:
.L_overlay_start_1:
0x0: {  	(tag) =	ssettag $0x1  }
0x1: {  	s5 =	rddreg [dreg:$0x0]  }
0x2: {  	s1 =	srdreg.scid;
	s7 =	rddreg [dreg:$0x1]  }
0x3: {  	s0 =	stileid.u32;
	s2 =	rddreg [dreg:$0x2];
	s3 =	simm.s32 $0x0  }
0x4: {  	s15 =	simm.s32 $0x5000;
	s16 =	simm.s32 $0x1;
	s17 =	simm.s32 $0x0  }
0x5: {  	s6 =	sand.u32 $0x1, s1;
	s1 =	rddreg [dreg:$0x3];
	s9 =	smul.u32 $0x14000, s0  }
0x6: {  	s28 =	sshll.u32 s0, $0x1;
	[smem:$0x7FF] =	sst s3;
	s29 =	smul.u32 $0x50000, s0  }
0x7: {  	s31 =	sshll.u32 s0, $0x6;
	s4 =	sor.u32 s6, s28;
	s10 =	smul.u32 $0x140000, s6  }
0x8: {  	_ =	strace $0x80000053;
	s6 =	ssub.s32 $0x2, s6;
	s8 =	smul.u32 $0x500, s4  }
0x9: {  	s4 =	sadd.s32 $0x37000, s5;
	s12 =	sshrl.u32 s9, $0x3;
	s13 =	sshrl.u32 s6, $0x1  }
0xa: {  	s30 =	sshrl.u32 s29, $0x2;
	s9 =	sadd.s32 s9, s10;
	s12 =	sadd.s32 s12, s5  }
0xb: {  	s13 =	ssub.s32 s6, s13;
	s14 =	sadd.s32 s30, s2;
	s6 =	sor.u32 $0x1C02, s31  }
0xc: {  	s11 =	sadd.s32 s8, s5;
	s9 =	sshrl.u32 s9, $0x3;
	s7 =	sadd.s32 s7, s8  }
0xd: {  	s10 =	smax.u32 s13, $0x1;
	s13 =	simm.s32 $0x2800;
	s9 =	sadd.s32 s9, s5  }
0xe: {  	s5 =	sadd.s32 $0xF000, s12;
	s8 =	sadd.s32 $0x5000, s11;
	s11 =	sshrl.u32 s14, $0x3  }
0xf: {  	s12 =	simm.s32 $0x2;
	s14 =	simm.s32 $0x80;
	s9 =	sadd.s32 $0x5F000, s9  }
.LBB2_1:
0x10: {  	[spmem:s11], [sflag:s6] =	dma.local [hbm:s5], $0x2800  }
0x11: {  	_ =	swait.ge [sflag:s12], $0x2800  }
0x12: {  	[sflag:s12] =	ssyncset.done $0x0  }
0x13: {  	[sflag:s12] =	ssyncadd.s32 $0xFFFFD800  }
0x14: {  	[tilespmem:s3], [sflag:$0x2] =	stream.linear.gather [hbm4b:s7+s3], $0x2800, $0x38;
	[tilespmem:$0x1D000] =	vst v63  }
0x15: {  	_ =	swait.ge [sflag:s12], $0x2800  }
0x16: {  	[sflag:s12] =	ssyncset.done $0x0  }
0x17: {  	[sflag:s12] =	ssyncadd.s32 $0xFFFFD800  }
0x18: {  	[tilespmem:s13], [sflag:$0x2] =	stream.linear.gather [hbm4b:s8+s3], $0x2800, $0x38;
	[tilespmem:$0x1D000] =	vst v63  }
0x19: {  	_ =	swait.ge [sflag:s12], $0x2800  }
0x1a: {  	[sflag:s12] =	ssyncset.done $0x0  }
0x1b: {  	[sflag:s12] =	ssyncadd.s32 $0xFFFFD800  }
0x1c: {  	s18 =	simm.s32 $0x0;
	[bflag:$0x0] =	sbarrier.arrive $0xFFFF  }
0x1d: {  	[tilespmem:s15], [sflag:$0x1] =	stream.indirect.gather [hbm4b:s4+s14], $0x80, s18, s14, $0xb8;
	[tilespmem:$0x1D000] =	vst v63  }
0x1e: {  	_ =	swait.ge [sflag:s16], $0x4000  }
0x1f: {  	[sflag:s16] =	ssyncset.done $0x0  }
0x20: {  	s31 =	simm.s32 $0x2800;
	[sflag:s16] =	ssyncadd.s32 $0xFFFFC000  }
0x21: {  	[spmem:s2] =	stream.indirect.scatter.add.f32 [tilespmem:s15], [sflag:$0x2], $0x80, s31, s14, $0xb8;
	[tilespmem:$0x1D000] =	vst v63  }
0x22: {  	_ =	swait.ge [sflag:s12], $0x4000  }
0x23: {  	s19 =	simm.s32 $0x400;
	s18 =	simm.s32 $0x200;
	[sflag:s12] =	ssyncset.done $0x0  }
.LBB2_2:
0x24: {  	s20 =	sshra.s32 s18, $0x2  }
0x25: {  	[sflag:s12] =	ssyncadd.s32 $0xFFFFC000;
	s18 =	smov.u32 s19;
	s21 =	sadd.s32 $0x200, s19  }
0x26: {  	[tilespmem:s15], [sflag:$0x1] =	stream.indirect.gather [hbm4b:s4+s14], $0x80, s20, s14, $0xb8;
	[tilespmem:$0x1D000] =	vst v63  }
0x27: {  	p0 =	sne.s32 s19, $0x9E00;
	_ =	swait.ge [sflag:s16], $0x4000  }
.Ltmp0:
0x28: {  	[sflag:s16] =	ssyncset.done $0x0;
	(pc) =	sbr.rel @p0 .LBB2_2-.Ltmp0, $4  }
0x29: {  	s19 =	sadd.s32 $0x2800, s20;
	[sflag:s16] =	ssyncadd.s32 $0xFFFFC000  }
0x2a: {  	[spmem:s2] =	stream.indirect.scatter.add.f32 [tilespmem:s15], [sflag:$0x2], $0x80, s19, s14, $0xb8;
	[tilespmem:$0x1D000] =	vst v63  }
0x2b: {  	_ =	swait.ge [sflag:s12], $0x4000  }
0x2c: {  	s19 =	smov.u32 s21;
	[sflag:s12] =	ssyncset.done $0x0  }
0x2d: {  	s18 =	sshra.s32 s18, $0x2;
	[sflag:s12] =	ssyncadd.s32 $0xFFFFC000  }
0x2e: {  	[tilespmem:s15], [sflag:$0x1] =	stream.indirect.gather [hbm4b:s4+s14], $0x80, s18, s14, $0xb8;
	[tilespmem:$0x1D000] =	vst v63  }
0x2f: {  	_ =	swait.ge [sflag:s16], $0x4000  }
0x30: {  	[sflag:s16] =	ssyncset.done $0x0  }
0x31: {  	s18 =	sadd.s32 $0x2800, s18;
	[sflag:s16] =	ssyncadd.s32 $0xFFFFC000  }
0x32: {  	[spmem:s2] =	stream.indirect.scatter.add.f32 [tilespmem:s15], [sflag:$0x2], $0x80, s18, s14, $0xb8;
	[tilespmem:$0x1D000] =	vst v63  }
0x33: {  	_ =	swait.ge [sflag:s12], $0x4000  }
0x34: {  	s17 =	sadd.s32 $0x1, s17;
	[sflag:s12] =	ssyncset.done $0x0  }
0x35: {  	p0 =	sne.s32 s17, s10;
	[sflag:s12] =	ssyncadd.s32 $0xFFFFC000  }
.Ltmp1:
0x36: {  	[bflag:$0x0] =	sbarrier.arrive $0xFFFF;
	(pc) =	sbr.rel @p0 .LBB2_1-.Ltmp1, $4  }
0x37: {  	[hbm:s9], [sflag:s6] =	dma.local [spmem:s11], $0x2800  }
0x38: {  	_ =	swait.ge [sflag:s12], $0x2800  }
0x39: {  	[sflag:s12] =	ssyncset.done $0x0  }
0x3a: {  	[sflag:s12] =	ssyncadd.s32 $0xFFFFD800  }
0x3b: {  	_ =	sfence.sel $0x180000  }
0x3c: {  	[bflag:$0x0] =	sbarrier.arrive $0xFFFF  }
0x3d: {  	p0 =	sne.s32 s0, $0x0;
	_ =	strace $0x90000053  }
0x3e: {  	s0 =	sadd.s32 @!p0 $0x100000, s1;
	[bflag:$0x2] =	sbarrier.arrive $0xFFFF  }
0x3f: {  	[sflag:s0] =	ssyncadd.tile.s32 @!p0 $0x1;
	_ =	shalt  }
.Lfunc_end2:
_tile_overlayer_lowered:
.L_overlay_start_2:
0x40: {  	(tag) =	ssettag $0x2  }
0x41: {  	s0 =	rddreg [dreg:$0x0];
	s2 =	stileid.u32  }
0x42: {  	s1 =	rddreg [dreg:$0x1];
	p0 =	sne.s32 s2, $0x0  }
0x43: {  	s3 =	rddreg [dreg:$0x2];
	[bflag:$0x3] =	sbarrier.arrive $0xFFFF;
	s2 =	simm.s32 @!p0 $0x1C02  }
0x44: {  	[timem:s3], [sflag:s2] =	dma.local @!p0 [hbm:s0], s1  }
0x45: {  	s0 =	simm.s32 @!p0 $0x2  }
0x46: {  	_ =	swait.ge @!p0 [sflag:s0], s1  }
0x47: {  	s1 =	ssub.s32 @!p0 $0x0, s1;
	[sflag:s0] =	ssyncset.done @!p0 $0x0  }
0x48: {  	[sflag:s0] =	ssyncadd.s32 @!p0 s1  }
0x49: {  	[bflag:$0x3] =	sbarrier.arrive $0xFFFF  }
0x4a: {  	_ =	shalt  }

</sc_bundles>
